<compile_context>
chip_gen: v7x
topology: tpu7x:2x2x1
jax: 0.10.2.dev20260603
libtpu: 0.0.44.dev20260713+nightly
codegen_flags: <defaults>
</compile_context>

<pallas_src>
import functools

import jax
import jax.numpy as jnp
from jax import lax
from jax.experimental import pallas as pl
from jax.experimental.pallas import tpu as pltpu
from jax.experimental.pallas import tpu_sc as plsc

_L = 16
_NC = 2
_NS = 16
_NW = _NC * _NS
_TBL = 2048
_B, _S, _D = 2, 8192, 2048


def _make_sc_kernel(rows_per_chunk: int, unroll: int, nslots: int):
  nrows = _B * _S
  assert nrows % _NW == 0
  rw = nrows // _NW
  nch = rw // rows_per_chunk
  assert nch % nslots == 0 and nch // nslots >= 2
  mesh = plsc.VectorSubcoreMesh(core_axis_name="c", subcore_axis_name="s")

  scratch = [
      pltpu.VMEM((_TBL,), jnp.float32),
      pltpu.VMEM((_L,), jnp.float32),
  ]
  scratch += [pltpu.VMEM((rows_per_chunk, _D), jnp.int32)
              for _ in range(nslots)]
  scratch += [pltpu.VMEM((rows_per_chunk, _D), jnp.float32)
              for _ in range(nslots)]
  scratch += [pltpu.SemaphoreType.DMA for _ in range(2 * nslots)]

  @functools.partial(
      pl.kernel,
      mesh=mesh,
      compiler_params=pltpu.CompilerParams(needs_layout_passes=False),
      out_type=jax.ShapeDtypeStruct((_B, _S, _D), jnp.float32),
      scratch_types=scratch,
  )
  def body(inputs_3d, table_hbm, scales_hbm, out_3d, tab, scl, *bufs):
    idx_bufs = bufs[:nslots]
    val_bufs = bufs[nslots:2 * nslots]
    sin = bufs[2 * nslots:3 * nslots]
    sout = bufs[3 * nslots:]

    inputs_hbm = inputs_3d.reshape(nrows, _D)
    out_hbm = out_3d.reshape(nrows, _D)
    wid = lax.axis_index("s") * _NC + lax.axis_index("c")
    row_base = wid * rw

    pltpu.sync_copy(table_hbm, tab)
    pltpu.sync_copy(scales_hbm, scl)
    s = scl[...]

    @plsc.parallel_loop(0, _TBL, step=_L)
    def _(i):
      tab[pl.ds(i, _L)] = tab[pl.ds(i, _L)] * s

    def in_copy(g, b):
      return pltpu.make_async_copy(
          inputs_hbm.at[pl.ds(row_base + g * rows_per_chunk, rows_per_chunk)],
          idx_bufs[b], sin[b])

    def out_copy(g, b):
      return pltpu.make_async_copy(
          val_bufs[b],
          out_hbm.at[pl.ds(row_base + g * rows_per_chunk, rows_per_chunk)],
          sout[b])

    for b in range(nslots):
      in_copy(b, b).start()

    def step(p, carry):
      for b in range(nslots):
        g = p * nslots + b
        in_copy(g, b).wait()

        @pl.when(p > 0)
        def _():
          out_copy(g - nslots, b).wait()

        idx_ref = idx_bufs[b]
        val_ref = val_bufs[b]

        for r in range(rows_per_chunk):
          @plsc.parallel_loop(0, _D, step=_L, unroll=unroll)
          def _(i, r=r):
            val_ref[r, pl.ds(i, _L)] = plsc.load_gather(
                tab, [idx_ref[r, pl.ds(i, _L)]])

        out_copy(g, b).start()

        @pl.when(p + 1 < nch // nslots)
        def _():
          in_copy(g + nslots, b).start()
      return carry

    lax.fori_loop(0, nch // nslots, step, 0)
    for b in range(nslots):
      out_copy(nch - nslots + b, b).wait()

  return body


_sc_kernel = _make_sc_kernel(rows_per_chunk=4, unroll=16, nslots=4)


@jax.jit
def kernel(inputs, table, scales):
  scl16 = jnp.broadcast_to(jnp.reshape(scales, (1,)), (_L,))
  return _sc_kernel(inputs, table, scl16)

# --- scband reference (transcript-rebuilt; emitter-appended) ---
"""Pipeline reference for scband-quantized-activation-33698313404681 (READ-ONLY COPY).

The authoritative reference and input builder live on the scoring server;
editing this copy changes nothing except your own understanding.
"""

import jax, jax.numpy as jnp
import numpy as np

# QuantizedActivation constants (from the module):
# DEFAULT_INPUT_BITWIDTH = 11 -> input value_bits = 10 (1 sign bit)
# DEFAULT_LUT_BITWIDTH   = 14 -> lut_bits = 13
VALUE_BITS = 10
FRAC_BITS = 4
LUT_BITS = 13


def _build_lut():
    """Faithful port of record_values_in_table: enumerate the full FixedPoint
    input range, apply the float activation (gelu), then quantize the outputs
    to a QFloat with lut_bits and optimal per-tensor scales."""
    int_max = 2 ** VALUE_BITS
    keys = jnp.arange(-int_max, int_max, dtype=jnp.int32)  # [2048]
    x = keys.astype(jnp.float32) / (2.0 ** FRAC_BITS)      # FixedPoint.to_float()
    y = jax.nn.gelu(x, approximate=False)                  # Activation.call('gelu')
    range_max = jnp.max(jnp.abs(y))
    # QFloat.optimal_scales(range_max, lut_bits)
    scales = range_max / (2.0 ** LUT_BITS - 1.0)
    # QFloat.quantize: integer LUT values (stored as float32)
    table = jnp.clip(jnp.round(y / scales), -(2 ** LUT_BITS), 2 ** LUT_BITS - 1)
    return table, scales


def setup_inputs(seed: int = 0) -> dict:
    key = jax.random.key(seed)
    # Integer FixedPoint input values, already offset to [0, 2048) so they
    # index the LUT directly (raw key = inputs - 2**VALUE_BITS).
    inputs = jax.random.randint(key, (2, 8192, 2048), 0, 2 ** (VALUE_BITS + 1), dtype=jnp.int32)
    table, scales = _build_lut()
    return {"inputs": inputs, "table": table, "scales": scales}


def reference(inputs, table, scales):
    # LUT path of QuantizedActivation.call: map each integer input value
    # through the look-up table (gather), then dequantize with the recorded
    # per-tensor scales: QFloat(FixedPoint(values, lut_bits, 0), scales).to_float()
    vals = jnp.take(table, inputs, axis=0)  # [B, S, D] gather from [2048] LUT
    return vals * scales

if __name__ == "__main__":
    import jax
    _d = setup_inputs()
    print(jax.jit(kernel)(*tuple(_d.values())))

</pallas_src>

<mosaic_0001>
#map = affine_map<(d0, d1) -> (0, 0, 0)>
#map1 = affine_map<(d0, d1) -> (0)>
module attributes {stable_mosaic.version = 14 : i64} {
  func.func @body(%arg0: i32, %arg1: i32, %arg2: memref<2x8192x2048xi32, #tpu.memory_space<hbm>>, %arg3: memref<2048xf32, #tpu.memory_space<hbm>>, %arg4: memref<16xf32, #tpu.memory_space<hbm>>, %arg5: memref<2x8192x2048xf32, #tpu.memory_space<hbm>>, %arg6: memref<2048xf32, #tpu.memory_space<vmem>>, %arg7: memref<16xf32, #tpu.memory_space<vmem>>, %arg8: memref<4x2048xi32, #tpu.memory_space<vmem>>, %arg9: memref<4x2048xi32, #tpu.memory_space<vmem>>, %arg10: memref<4x2048xi32, #tpu.memory_space<vmem>>, %arg11: memref<4x2048xi32, #tpu.memory_space<vmem>>, %arg12: memref<4x2048xf32, #tpu.memory_space<vmem>>, %arg13: memref<4x2048xf32, #tpu.memory_space<vmem>>, %arg14: memref<4x2048xf32, #tpu.memory_space<vmem>>, %arg15: memref<4x2048xf32, #tpu.memory_space<vmem>>, %arg16: memref<!tpu.dma_semaphore, #tpu.memory_space<semaphore_mem>>, %arg17: memref<!tpu.dma_semaphore, #tpu.memory_space<semaphore_mem>>, %arg18: memref<!tpu.dma_semaphore, #tpu.memory_space<semaphore_mem>>, %arg19: memref<!tpu.dma_semaphore, #tpu.memory_space<semaphore_mem>>, %arg20: memref<!tpu.dma_semaphore, #tpu.memory_space<semaphore_mem>>, %arg21: memref<!tpu.dma_semaphore, #tpu.memory_space<semaphore_mem>>, %arg22: memref<!tpu.dma_semaphore, #tpu.memory_space<semaphore_mem>>, %arg23: memref<!tpu.dma_semaphore, #tpu.memory_space<semaphore_mem>>) attributes {dimension_semantics = [#tpu.dimension_semantics<core_parallel>, #tpu.dimension_semantics<subcore_parallel>], iteration_bounds = array<i64: 2, 16>, scalar_prefetch = 0 : i64, scratch_operands = 18 : i64, tpu.core_type = #tpu.core_type<sc_vector_subcore>, window_params = [{transform_indices = #map}, {transform_indices = #map1}, {transform_indices = #map1}, {transform_indices = #map}]} {
    %mul3A = arith.constant 2 : i32
    %mul3A_0 = arith.muli %arg1, %mul3A : i32
    %add3A = arith.addi %mul3A_0, %arg0 : i32
    %mul3A_1 = arith.constant 512 : i32
    %mul3A_2 = arith.muli %add3A, %mul3A_1 : i32
    "tpu.region"() ({
      %run_scoped3A = tpu.sem_alloc : memref<!tpu.dma_semaphore, #tpu.memory_space<semaphore_mem>>
      tpu.enqueue_dma source(%arg3 : memref<2048xf32, #tpu.memory_space<hbm>>) target(%arg6 : memref<2048xf32, #tpu.memory_space<vmem>>) target_semaphore(%run_scoped3A : memref<!tpu.dma_semaphore, #tpu.memory_space<semaphore_mem>>)
      tpu.wait_dma2 semaphore(%run_scoped3A : memref<!tpu.dma_semaphore, #tpu.memory_space<semaphore_mem>>) src(%arg3 : memref<2048xf32, #tpu.memory_space<hbm>>) dst(%arg6 : memref<2048xf32, #tpu.memory_space<vmem>>)
      tpu.yield
    }) : () -> ()
    "tpu.region"() ({
      %run_scoped3A = tpu.sem_alloc : memref<!tpu.dma_semaphore, #tpu.memory_space<semaphore_mem>>
      tpu.enqueue_dma source(%arg4 : memref<16xf32, #tpu.memory_space<hbm>>) target(%arg7 : memref<16xf32, #tpu.memory_space<vmem>>) target_semaphore(%run_scoped3A : memref<!tpu.dma_semaphore, #tpu.memory_space<semaphore_mem>>)
      tpu.wait_dma2 semaphore(%run_scoped3A : memref<!tpu.dma_semaphore, #tpu.memory_space<semaphore_mem>>) src(%arg4 : memref<16xf32, #tpu.memory_space<hbm>>) dst(%arg7 : memref<16xf32, #tpu.memory_space<vmem>>)
      tpu.yield
    }) : () -> ()
    %get3A = arith.constant 0 : index
    %get3A_3 = tpu.vector_load %arg7[%get3A] {strides = array<i32>} : memref<16xf32, #tpu.memory_space<vmem>>, vector<16xf32>,
    %parallel_loop3A = arith.constant 0 : i32
    %parallel_loop3A_4 = arith.constant 2048 : i32
    %parallel_loop3A_5 = arith.constant 16 : i32
    scf.for %parallel_loop3A_73 = %parallel_loop3A to %parallel_loop3A_4 step %parallel_loop3A_5  : i32 {
      %parallel_loop3A_74 = arith.index_cast %parallel_loop3A_73 : i32 to index
      %parallel_loop3A_75 = tpu.vector_load %arg6[%parallel_loop3A_74] {strides = array<i32>} : memref<2048xf32, #tpu.memory_space<vmem>>, vector<16xf32>,
      %parallel_loop3A_76 = arith.mulf %parallel_loop3A_75, %get3A_3 : vector<16xf32>
      %parallel_loop3A_77 = arith.index_cast %parallel_loop3A_73 : i32 to index
      %parallel_loop3A_78 = tpu.vector_load %arg6[%parallel_loop3A_77] {strides = array<i32>} : memref<2048xf32, #tpu.memory_space<vmem>>, vector<16xf32>,
      tpu.vector_store %arg6[%parallel_loop3A_77], %parallel_loop3A_76 {strides = array<i32>} : memref<2048xf32, #tpu.memory_space<vmem>>, vector<16xf32>,
    } {sc.loop_unroll_factor = 1 : i64, sc.parallel_access}
    %add3A_6 = arith.constant 0 : i32
    %add3A_7 = arith.addi %mul3A_2, %add3A_6 : i32
    %dma_start3A = tpu.memref_reshape %arg2 : memref<2x8192x2048xi32, #tpu.memory_space<hbm>> -> memref<16384x2048xi32, #tpu.memory_space<hbm>>
    %dma_start3A_8 = arith.constant 0 : i32
    %dma_start3A_9 = tpu.memref_slice %dma_start3A[%add3A_7, %dma_start3A_8] : memref<16384x2048xi32, #tpu.memory_space<hbm>> -> memref<4x2048xi32, #tpu.memory_space<hbm>>
    %dma_start3A_10 = tpu.memref_reshape %arg2 : memref<2x8192x2048xi32, #tpu.memory_space<hbm>> -> memref<16384x2048xi32, #tpu.memory_space<hbm>>
    %dma_start3A_11 = arith.constant 0 : i32
    %dma_start3A_12 = tpu.memref_slice %dma_start3A_10[%add3A_7, %dma_start3A_11] : memref<16384x2048xi32, #tpu.memory_space<hbm>> -> memref<4x2048xi32, #tpu.memory_space<hbm>>
    tpu.enqueue_dma source(%dma_start3A_12 : memref<4x2048xi32, #tpu.memory_space<hbm>>) target(%arg8 : memref<4x2048xi32, #tpu.memory_space<vmem>>) target_semaphore(%arg16 : memref<!tpu.dma_semaphore, #tpu.memory_space<semaphore_mem>>)
    %add3A_13 = arith.constant 4 : i32
    %add3A_14 = arith.addi %mul3A_2, %add3A_13 : i32
    %dma_start3A_15 = tpu.memref_reshape %arg2 : memref<2x8192x2048xi32, #tpu.memory_space<hbm>> -> memref<16384x2048xi32, #tpu.memory_space<hbm>>
    %dma_start3A_16 = arith.constant 0 : i32
    %dma_start3A_17 = tpu.memref_slice %dma_start3A_15[%add3A_14, %dma_start3A_16] : memref<16384x2048xi32, #tpu.memory_space<hbm>> -> memref<4x2048xi32, #tpu.memory_space<hbm>>
    %dma_start3A_18 = tpu.memref_reshape %arg2 : memref<2x8192x2048xi32, #tpu.memory_space<hbm>> -> memref<16384x2048xi32, #tpu.memory_space<hbm>>
    %dma_start3A_19 = arith.constant 0 : i32
    %dma_start3A_20 = tpu.memref_slice %dma_start3A_18[%add3A_14, %dma_start3A_19] : memref<16384x2048xi32, #tpu.memory_space<hbm>> -> memref<4x2048xi32, #tpu.memory_space<hbm>>
    tpu.enqueue_dma source(%dma_start3A_20 : memref<4x2048xi32, #tpu.memory_space<hbm>>) target(%arg9 : memref<4x2048xi32, #tpu.memory_space<vmem>>) target_semaphore(%arg17 : memref<!tpu.dma_semaphore, #tpu.memory_space<semaphore_mem>>)
    %add3A_21 = arith.constant 8 : i32
    %add3A_22 = arith.addi %mul3A_2, %add3A_21 : i32
    %dma_start3A_23 = tpu.memref_reshape %arg2 : memref<2x8192x2048xi32, #tpu.memory_space<hbm>> -> memref<16384x2048xi32, #tpu.memory_space<hbm>>
    %dma_start3A_24 = arith.constant 0 : i32
    %dma_start3A_25 = tpu.memref_slice %dma_start3A_23[%add3A_22, %dma_start3A_24] : memref<16384x2048xi32, #tpu.memory_space<hbm>> -> memref<4x2048xi32, #tpu.memory_space<hbm>>
    %dma_start3A_26 = tpu.memref_reshape %arg2 : memref<2x8192x2048xi32, #tpu.memory_space<hbm>> -> memref<16384x2048xi32, #tpu.memory_space<hbm>>
    %dma_start3A_27 = arith.constant 0 : i32
    %dma_start3A_28 = tpu.memref_slice %dma_start3A_26[%add3A_22, %dma_start3A_27] : memref<16384x2048xi32, #tpu.memory_space<hbm>> -> memref<4x2048xi32, #tpu.memory_space<hbm>>
    tpu.enqueue_dma source(%dma_start3A_28 : memref<4x2048xi32, #tpu.memory_space<hbm>>) target(%arg10 : memref<4x2048xi32, #tpu.memory_space<vmem>>) target_semaphore(%arg18 : memref<!tpu.dma_semaphore, #tpu.memory_space<semaphore_mem>>)
    %add3A_29 = arith.constant 12 : i32
    %add3A_30 = arith.addi %mul3A_2, %add3A_29 : i32
    %dma_start3A_31 = tpu.memref_reshape %arg2 : memref<2x8192x2048xi32, #tpu.memory_space<hbm>> -> memref<16384x2048xi32, #tpu.memory_space<hbm>>
    %dma_start3A_32 = arith.constant 0 : i32
    %dma_start3A_33 = tpu.memref_slice %dma_start3A_31[%add3A_30, %dma_start3A_32] : memref<16384x2048xi32, #tpu.memory_space<hbm>> -> memref<4x2048xi32, #tpu.memory_space<hbm>>
    %dma_start3A_34 = tpu.memref_reshape %arg2 : memref<2x8192x2048xi32, #tpu.memory_space<hbm>> -> memref<16384x2048xi32, #tpu.memory_space<hbm>>
    %dma_start3A_35 = arith.constant 0 : i32
    %dma_start3A_36 = tpu.memref_slice %dma_start3A_34[%add3A_30, %dma_start3A_35] : memref<16384x2048xi32, #tpu.memory_space<hbm>> -> memref<4x2048xi32, #tpu.memory_space<hbm>>
    tpu.enqueue_dma source(%dma_start3A_36 : memref<4x2048xi32, #tpu.memory_space<hbm>>) target(%arg11 : memref<4x2048xi32, #tpu.memory_space<vmem>>) target_semaphore(%arg19 : memref<!tpu.dma_semaphore, #tpu.memory_space<semaphore_mem>>)
    %scan3A = arith.constant 0 : i32
    %scan3A_37 = arith.constant 0 : i32
    %scan3A_38 = arith.constant 32 : i32
    %scan3A_39 = arith.addi %scan3A_37, %scan3A_38 : i32
    %scan3A_40 = arith.constant 1 : i32
    scf.for %scan3A_73 = %scan3A_37 to %scan3A_39 step %scan3A_40  : i32 {
      %mul3A_74 = arith.constant 4 : i32
      %mul3A_75 = arith.muli %scan3A_73, %mul3A_74 : i32
      %add3A_76 = arith.constant 0 : i32
      %add3A_77 = arith.addi %mul3A_75, %add3A_76 : i32
      %mul3A_78 = arith.constant 4 : i32
      %mul3A_79 = arith.muli %add3A_77, %mul3A_78 : i32
      %add3A_80 = arith.addi %mul3A_2, %mul3A_79 : i32
      %dma_wait3A_81 = tpu.memref_reshape %arg2 : memref<2x8192x2048xi32, #tpu.memory_space<hbm>> -> memref<16384x2048xi32, #tpu.memory_space<hbm>>
      %dma_wait3A_82 = arith.constant 0 : i32
      %dma_wait3A_83 = tpu.memref_slice %dma_wait3A_81[%add3A_80, %dma_wait3A_82] : memref<16384x2048xi32, #tpu.memory_space<hbm>> -> memref<4x2048xi32, #tpu.memory_space<hbm>>
      %dma_wait3A_84 = tpu.memref_reshape %arg2 : memref<2x8192x2048xi32, #tpu.memory_space<hbm>> -> memref<16384x2048xi32, #tpu.memory_space<hbm>>
      %dma_wait3A_85 = arith.constant 0 : i32
      %dma_wait3A_86 = tpu.memref_slice %dma_wait3A_84[%add3A_80, %dma_wait3A_85] : memref<16384x2048xi32, #tpu.memory_space<hbm>> -> memref<4x2048xi32, #tpu.memory_space<hbm>>
      tpu.wait_dma2 semaphore(%arg16 : memref<!tpu.dma_semaphore, #tpu.memory_space<semaphore_mem>>) src(%dma_wait3A_86 : memref<4x2048xi32, #tpu.memory_space<hbm>>) dst(%arg8 : memref<4x2048xi32, #tpu.memory_space<vmem>>)
      %gt3A = arith.constant 0 : i32
      %gt3A_87 = arith.cmpi sgt, %scan3A_73, %gt3A : i32
      %convert_element_type3A = arith.extui %gt3A_87 : i1 to i32
      %cond3A = arith.constant 0 : i32
      %cond3A_88 = arith.cmpi ne, %convert_element_type3A, %cond3A : i32
      scf.if %cond3A_88 {
        %sub3A = arith.constant 4 : i32
        %sub3A_254 = arith.subi %add3A_77, %sub3A : i32
        %mul3A_255 = arith.constant 4 : i32
        %mul3A_256 = arith.muli %sub3A_254, %mul3A_255 : i32
        %add3A_257 = arith.addi %mul3A_2, %mul3A_256 : i32
        %dma_wait3A_258 = tpu.memref_reshape %arg5 : memref<2x8192x2048xf32, #tpu.memory_space<hbm>> -> memref<16384x2048xf32, #tpu.memory_space<hbm>>
        %dma_wait3A_259 = arith.constant 0 : i32
        %dma_wait3A_260 = tpu.memref_slice %dma_wait3A_258[%add3A_257, %dma_wait3A_259] : memref<16384x2048xf32, #tpu.memory_space<hbm>> -> memref<4x2048xf32, #tpu.memory_space<hbm>>
        %dma_wait3A_261 = tpu.memref_reshape %arg5 : memref<2x8192x2048xf32, #tpu.memory_space<hbm>> -> memref<16384x2048xf32, #tpu.memory_space<hbm>>
        %dma_wait3A_262 = arith.constant 0 : i32
        %dma_wait3A_263 = tpu.memref_slice %dma_wait3A_261[%add3A_257, %dma_wait3A_262] : memref<16384x2048xf32, #tpu.memory_space<hbm>> -> memref<4x2048xf32, #tpu.memory_space<hbm>>
        tpu.wait_dma2 semaphore(%arg20 : memref<!tpu.dma_semaphore, #tpu.memory_space<semaphore_mem>>) src(%arg12 : memref<4x2048xf32, #tpu.memory_space<vmem>>) dst(%dma_wait3A_263 : memref<4x2048xf32, #tpu.memory_space<hbm>>)
      } else {
      }
      %parallel_loop3A_89 = arith.constant 0 : i32
      %parallel_loop3A_90 = arith.constant 2048 : i32
      %parallel_loop3A_91 = arith.constant 16 : i32
      scf.for %parallel_loop3A_254 = %parallel_loop3A_89 to %parallel_loop3A_90 step %parallel_loop3A_91  : i32 {
        %parallel_loop3A_255 = arith.constant 0 : i32
        %parallel_loop3A_256 = arith.index_cast %parallel_loop3A_255 : i32 to index
        %parallel_loop3A_257 = arith.index_cast %parallel_loop3A_254 : i32 to index
        %parallel_loop3A_258 = tpu.vector_load %arg8[%parallel_loop3A_256, %parallel_loop3A_257] {strides = array<i32>} : memref<4x2048xi32, #tpu.memory_space<vmem>>, vector<16xi32>,
        %parallel_loop3A_259 = tpu.vector_load_idx %arg6[%parallel_loop3A_258] : memref<2048xf32, #tpu.memory_space<vmem>>[vector<16xi32>], vector<16xf32>,
        %parallel_loop3A_260 = arith.constant 0 : i32
        %parallel_loop3A_261 = arith.index_cast %parallel_loop3A_260 : i32 to index
        %parallel_loop3A_262 = arith.index_cast %parallel_loop3A_254 : i32 to index
        %parallel_loop3A_263 = tpu.vector_load %arg12[%parallel_loop3A_261, %parallel_loop3A_262] {strides = array<i32>} : memref<4x2048xf32, #tpu.memory_space<vmem>>, vector<16xf32>,
        tpu.vector_store %arg12[%parallel_loop3A_261, %parallel_loop3A_262], %parallel_loop3A_259 {strides = array<i32>} : memref<4x2048xf32, #tpu.memory_space<vmem>>, vector<16xf32>,
      } {sc.loop_unroll_factor = 16 : i64, sc.parallel_access}
      %parallel_loop3A_92 = arith.constant 0 : i32
      %parallel_loop3A_93 = arith.constant 2048 : i32
      %parallel_loop3A_94 = arith.constant 16 : i32
      scf.for %parallel_loop3A_254 = %parallel_loop3A_92 to %parallel_loop3A_93 step %parallel_loop3A_94  : i32 {
        %parallel_loop3A_255 = arith.constant 1 : i32
        %parallel_loop3A_256 = arith.index_cast %parallel_loop3A_255 : i32 to index
        %parallel_loop3A_257 = arith.index_cast %parallel_loop3A_254 : i32 to index
        %parallel_loop3A_258 = tpu.vector_load %arg8[%parallel_loop3A_256, %parallel_loop3A_257] {strides = array<i32>} : memref<4x2048xi32, #tpu.memory_space<vmem>>, vector<16xi32>,
        %parallel_loop3A_259 = tpu.vector_load_idx %arg6[%parallel_loop3A_258] : memref<2048xf32, #tpu.memory_space<vmem>>[vector<16xi32>], vector<16xf32>,
        %parallel_loop3A_260 = arith.constant 1 : i32
        %parallel_loop3A_261 = arith.index_cast %parallel_loop3A_260 : i32 to index
        %parallel_loop3A_262 = arith.index_cast %parallel_loop3A_254 : i32 to index
        %parallel_loop3A_263 = tpu.vector_load %arg12[%parallel_loop3A_261, %parallel_loop3A_262] {strides = array<i32>} : memref<4x2048xf32, #tpu.memory_space<vmem>>, vector<16xf32>,
        tpu.vector_store %arg12[%parallel_loop3A_261, %parallel_loop3A_262], %parallel_loop3A_259 {strides = array<i32>} : memref<4x2048xf32, #tpu.memory_space<vmem>>, vector<16xf32>,
      } {sc.loop_unroll_factor = 16 : i64, sc.parallel_access}
      %parallel_loop3A_95 = arith.constant 0 : i32
      %parallel_loop3A_96 = arith.constant 2048 : i32
      %parallel_loop3A_97 = arith.constant 16 : i32
      scf.for %parallel_loop3A_254 = %parallel_loop3A_95 to %parallel_loop3A_96 step %parallel_loop3A_97  : i32 {
        %parallel_loop3A_255 = arith.constant 2 : i32
        %parallel_loop3A_256 = arith.index_cast %parallel_loop3A_255 : i32 to index
        %parallel_loop3A_257 = arith.index_cast %parallel_loop3A_254 : i32 to index
        %parallel_loop3A_258 = tpu.vector_load %arg8[%parallel_loop3A_256, %parallel_loop3A_257] {strides = array<i32>} : memref<4x2048xi32, #tpu.memory_space<vmem>>, vector<16xi32>,
        %parallel_loop3A_259 = tpu.vector_load_idx %arg6[%parallel_loop3A_258] : memref<2048xf32, #tpu.memory_space<vmem>>[vector<16xi32>], vector<16xf32>,
        %parallel_loop3A_260 = arith.constant 2 : i32
        %parallel_loop3A_261 = arith.index_cast %parallel_loop3A_260 : i32 to index
        %parallel_loop3A_262 = arith.index_cast %parallel_loop3A_254 : i32 to index
        %parallel_loop3A_263 = tpu.vector_load %arg12[%parallel_loop3A_261, %parallel_loop3A_262] {strides = array<i32>} : memref<4x2048xf32, #tpu.memory_space<vmem>>, vector<16xf32>,
        tpu.vector_store %arg12[%parallel_loop3A_261, %parallel_loop3A_262], %parallel_loop3A_259 {strides = array<i32>} : memref<4x2048xf32, #tpu.memory_space<vmem>>, vector<16xf32>,
      } {sc.loop_unroll_factor = 16 : i64, sc.parallel_access}
      %parallel_loop3A_98 = arith.constant 0 : i32
      %parallel_loop3A_99 = arith.constant 2048 : i32
      %parallel_loop3A_100 = arith.constant 16 : i32
      scf.for %parallel_loop3A_254 = %parallel_loop3A_98 to %parallel_loop3A_99 step %parallel_loop3A_100  : i32 {
        %parallel_loop3A_255 = arith.constant 3 : i32
        %parallel_loop3A_256 = arith.index_cast %parallel_loop3A_255 : i32 to index
        %parallel_loop3A_257 = arith.index_cast %parallel_loop3A_254 : i32 to index
        %parallel_loop3A_258 = tpu.vector_load %arg8[%parallel_loop3A_256, %parallel_loop3A_257] {strides = array<i32>} : memref<4x2048xi32, #tpu.memory_space<vmem>>, vector<16xi32>,
        %parallel_loop3A_259 = tpu.vector_load_idx %arg6[%parallel_loop3A_258] : memref<2048xf32, #tpu.memory_space<vmem>>[vector<16xi32>], vector<16xf32>,
        %parallel_loop3A_260 = arith.constant 3 : i32
        %parallel_loop3A_261 = arith.index_cast %parallel_loop3A_260 : i32 to index
        %parallel_loop3A_262 = arith.index_cast %parallel_loop3A_254 : i32 to index
        %parallel_loop3A_263 = tpu.vector_load %arg12[%parallel_loop3A_261, %parallel_loop3A_262] {strides = array<i32>} : memref<4x2048xf32, #tpu.memory_space<vmem>>, vector<16xf32>,
        tpu.vector_store %arg12[%parallel_loop3A_261, %parallel_loop3A_262], %parallel_loop3A_259 {strides = array<i32>} : memref<4x2048xf32, #tpu.memory_space<vmem>>, vector<16xf32>,
      } {sc.loop_unroll_factor = 16 : i64, sc.parallel_access}
      %mul3A_101 = arith.constant 4 : i32
      %mul3A_102 = arith.muli %add3A_77, %mul3A_101 : i32
      %add3A_103 = arith.addi %mul3A_2, %mul3A_102 : i32
      %dma_start3A_104 = tpu.memref_reshape %arg5 : memref<2x8192x2048xf32, #tpu.memory_space<hbm>> -> memref<16384x2048xf32, #tpu.memory_space<hbm>>
      %dma_start3A_105 = arith.constant 0 : i32
      %dma_start3A_106 = tpu.memref_slice %dma_start3A_104[%add3A_103, %dma_start3A_105] : memref<16384x2048xf32, #tpu.memory_space<hbm>> -> memref<4x2048xf32, #tpu.memory_space<hbm>>
      %dma_start3A_107 = tpu.memref_reshape %arg5 : memref<2x8192x2048xf32, #tpu.memory_space<hbm>> -> memref<16384x2048xf32, #tpu.memory_space<hbm>>
      %dma_start3A_108 = arith.constant 0 : i32
      %dma_start3A_109 = tpu.memref_slice %dma_start3A_107[%add3A_103, %dma_start3A_108] : memref<16384x2048xf32, #tpu.memory_space<hbm>> -> memref<4x2048xf32, #tpu.memory_space<hbm>>
      tpu.enqueue_dma source(%arg12 : memref<4x2048xf32, #tpu.memory_space<vmem>>) target(%dma_start3A_109 : memref<4x2048xf32, #tpu.memory_space<hbm>>) target_semaphore(%arg20 : memref<!tpu.dma_semaphore, #tpu.memory_space<semaphore_mem>>)
      %add3A_110 = arith.constant 1 : i32
      %add3A_111 = arith.addi %scan3A_73, %add3A_110 : i32
      %lt3A = arith.constant 32 : i32
      %lt3A_112 = arith.cmpi slt, %add3A_111, %lt3A : i32
      %convert_element_type3A_113 = arith.extui %lt3A_112 : i1 to i32
      %cond3A_114 = arith.constant 0 : i32
      %cond3A_115 = arith.cmpi ne, %convert_element_type3A_113, %cond3A_114 : i32
      scf.if %cond3A_115 {
        %add3A_254 = arith.constant 4 : i32
        %add3A_255 = arith.addi %add3A_77, %add3A_254 : i32
        %mul3A_256 = arith.constant 4 : i32
        %mul3A_257 = arith.muli %add3A_255, %mul3A_256 : i32
        %add3A_258 = arith.addi %mul3A_2, %mul3A_257 : i32
        %dma_start3A_259 = tpu.memref_reshape %arg2 : memref<2x8192x2048xi32, #tpu.memory_space<hbm>> -> memref<16384x2048xi32, #tpu.memory_space<hbm>>
        %dma_start3A_260 = arith.constant 0 : i32
        %dma_start3A_261 = tpu.memref_slice %dma_start3A_259[%add3A_258, %dma_start3A_260] : memref<16384x2048xi32, #tpu.memory_space<hbm>> -> memref<4x2048xi32, #tpu.memory_space<hbm>>
        %dma_start3A_262 = tpu.memref_reshape %arg2 : memref<2x8192x2048xi32, #tpu.memory_space<hbm>> -> memref<16384x2048xi32, #tpu.memory_space<hbm>>
        %dma_start3A_263 = arith.constant 0 : i32
        %dma_start3A_264 = tpu.memref_slice %dma_start3A_262[%add3A_258, %dma_start3A_263] : memref<16384x2048xi32, #tpu.memory_space<hbm>> -> memref<4x2048xi32, #tpu.memory_space<hbm>>
        tpu.enqueue_dma source(%dma_start3A_264 : memref<4x2048xi32, #tpu.memory_space<hbm>>) target(%arg8 : memref<4x2048xi32, #tpu.memory_space<vmem>>) target_semaphore(%arg16 : memref<!tpu.dma_semaphore, #tpu.memory_space<semaphore_mem>>)
      } else {
      }
      %mul3A_116 = arith.constant 4 : i32
      %mul3A_117 = arith.muli %scan3A_73, %mul3A_116 : i32
      %add3A_118 = arith.constant 1 : i32
      %add3A_119 = arith.addi %mul3A_117, %add3A_118 : i32
      %mul3A_120 = arith.constant 4 : i32
      %mul3A_121 = arith.muli %add3A_119, %mul3A_120 : i32
      %add3A_122 = arith.addi %mul3A_2, %mul3A_121 : i32
      %dma_wait3A_123 = tpu.memref_reshape %arg2 : memref<2x8192x2048xi32, #tpu.memory_space<hbm>> -> memref<16384x2048xi32, #tpu.memory_space<hbm>>
      %dma_wait3A_124 = arith.constant 0 : i32
      %dma_wait3A_125 = tpu.memref_slice %dma_wait3A_123[%add3A_122, %dma_wait3A_124] : memref<16384x2048xi32, #tpu.memory_space<hbm>> -> memref<4x2048xi32, #tpu.memory_space<hbm>>
      %dma_wait3A_126 = tpu.memref_reshape %arg2 : memref<2x8192x2048xi32, #tpu.memory_space<hbm>> -> memref<16384x2048xi32, #tpu.memory_space<hbm>>
      %dma_wait3A_127 = arith.constant 0 : i32
      %dma_wait3A_128 = tpu.memref_slice %dma_wait3A_126[%add3A_122, %dma_wait3A_127] : memref<16384x2048xi32, #tpu.memory_space<hbm>> -> memref<4x2048xi32, #tpu.memory_space<hbm>>
      tpu.wait_dma2 semaphore(%arg17 : memref<!tpu.dma_semaphore, #tpu.memory_space<semaphore_mem>>) src(%dma_wait3A_128 : memref<4x2048xi32, #tpu.memory_space<hbm>>) dst(%arg9 : memref<4x2048xi32, #tpu.memory_space<vmem>>)
      %gt3A_129 = arith.constant 0 : i32
      %gt3A_130 = arith.cmpi sgt, %scan3A_73, %gt3A_129 : i32
      %convert_element_type3A_131 = arith.extui %gt3A_130 : i1 to i32
      %cond3A_132 = arith.constant 0 : i32
      %cond3A_133 = arith.cmpi ne, %convert_element_type3A_131, %cond3A_132 : i32
      scf.if %cond3A_133 {
        %sub3A = arith.constant 4 : i32
        %sub3A_254 = arith.subi %add3A_119, %sub3A : i32
        %mul3A_255 = arith.constant 4 : i32
        %mul3A_256 = arith.muli %sub3A_254, %mul3A_255 : i32
        %add3A_257 = arith.addi %mul3A_2, %mul3A_256 : i32
        %dma_wait3A_258 = tpu.memref_reshape %arg5 : memref<2x8192x2048xf32, #tpu.memory_space<hbm>> -> memref<16384x2048xf32, #tpu.memory_space<hbm>>
        %dma_wait3A_259 = arith.constant 0 : i32
        %dma_wait3A_260 = tpu.memref_slice %dma_wait3A_258[%add3A_257, %dma_wait3A_259] : memref<16384x2048xf32, #tpu.memory_space<hbm>> -> memref<4x2048xf32, #tpu.memory_space<hbm>>
        %dma_wait3A_261 = tpu.memref_reshape %arg5 : memref<2x8192x2048xf32, #tpu.memory_space<hbm>> -> memref<16384x2048xf32, #tpu.memory_space<hbm>>
        %dma_wait3A_262 = arith.constant 0 : i32
        %dma_wait3A_263 = tpu.memref_slice %dma_wait3A_261[%add3A_257, %dma_wait3A_262] : memref<16384x2048xf32, #tpu.memory_space<hbm>> -> memref<4x2048xf32, #tpu.memory_space<hbm>>
        tpu.wait_dma2 semaphore(%arg21 : memref<!tpu.dma_semaphore, #tpu.memory_space<semaphore_mem>>) src(%arg13 : memref<4x2048xf32, #tpu.memory_space<vmem>>) dst(%dma_wait3A_263 : memref<4x2048xf32, #tpu.memory_space<hbm>>)
      } else {
      }
      %parallel_loop3A_134 = arith.constant 0 : i32
      %parallel_loop3A_135 = arith.constant 2048 : i32
      %parallel_loop3A_136 = arith.constant 16 : i32
      scf.for %parallel_loop3A_254 = %parallel_loop3A_134 to %parallel_loop3A_135 step %parallel_loop3A_136  : i32 {
        %parallel_loop3A_255 = arith.constant 0 : i32
        %parallel_loop3A_256 = arith.index_cast %parallel_loop3A_255 : i32 to index
        %parallel_loop3A_257 = arith.index_cast %parallel_loop3A_254 : i32 to index
        %parallel_loop3A_258 = tpu.vector_load %arg9[%parallel_loop3A_256, %parallel_loop3A_257] {strides = array<i32>} : memref<4x2048xi32, #tpu.memory_space<vmem>>, vector<16xi32>,
        %parallel_loop3A_259 = tpu.vector_load_idx %arg6[%parallel_loop3A_258] : memref<2048xf32, #tpu.memory_space<vmem>>[vector<16xi32>], vector<16xf32>,
        %parallel_loop3A_260 = arith.constant 0 : i32
        %parallel_loop3A_261 = arith.index_cast %parallel_loop3A_260 : i32 to index
        %parallel_loop3A_262 = arith.index_cast %parallel_loop3A_254 : i32 to index
        %parallel_loop3A_263 = tpu.vector_load %arg13[%parallel_loop3A_261, %parallel_loop3A_262] {strides = array<i32>} : memref<4x2048xf32, #tpu.memory_space<vmem>>, vector<16xf32>,
        tpu.vector_store %arg13[%parallel_loop3A_261, %parallel_loop3A_262], %parallel_loop3A_259 {strides = array<i32>} : memref<4x2048xf32, #tpu.memory_space<vmem>>, vector<16xf32>,
      } {sc.loop_unroll_factor = 16 : i64, sc.parallel_access}
      %parallel_loop3A_137 = arith.constant 0 : i32
      %parallel_loop3A_138 = arith.constant 2048 : i32
      %parallel_loop3A_139 = arith.constant 16 : i32
      scf.for %parallel_loop3A_254 = %parallel_loop3A_137 to %parallel_loop3A_138 step %parallel_loop3A_139  : i32 {
        %parallel_loop3A_255 = arith.constant 1 : i32
        %parallel_loop3A_256 = arith.index_cast %parallel_loop3A_255 : i32 to index
        %parallel_loop3A_257 = arith.index_cast %parallel_loop3A_254 : i32 to index
        %parallel_loop3A_258 = tpu.vector_load %arg9[%parallel_loop3A_256, %parallel_loop3A_257] {strides = array<i32>} : memref<4x2048xi32, #tpu.memory_space<vmem>>, vector<16xi32>,
        %parallel_loop3A_259 = tpu.vector_load_idx %arg6[%parallel_loop3A_258] : memref<2048xf32, #tpu.memory_space<vmem>>[vector<16xi32>], vector<16xf32>,
        %parallel_loop3A_260 = arith.constant 1 : i32
        %parallel_loop3A_261 = arith.index_cast %parallel_loop3A_260 : i32 to index
        %parallel_loop3A_262 = arith.index_cast %parallel_loop3A_254 : i32 to index
        %parallel_loop3A_263 = tpu.vector_load %arg13[%parallel_loop3A_261, %parallel_loop3A_262] {strides = array<i32>} : memref<4x2048xf32, #tpu.memory_space<vmem>>, vector<16xf32>,
        tpu.vector_store %arg13[%parallel_loop3A_261, %parallel_loop3A_262], %parallel_loop3A_259 {strides = array<i32>} : memref<4x2048xf32, #tpu.memory_space<vmem>>, vector<16xf32>,
      } {sc.loop_unroll_factor = 16 : i64, sc.parallel_access}
      %parallel_loop3A_140 = arith.constant 0 : i32
      %parallel_loop3A_141 = arith.constant 2048 : i32
      %parallel_loop3A_142 = arith.constant 16 : i32
      scf.for %parallel_loop3A_254 = %parallel_loop3A_140 to %parallel_loop3A_141 step %parallel_loop3A_142  : i32 {
        %parallel_loop3A_255 = arith.constant 2 : i32
        %parallel_loop3A_256 = arith.index_cast %parallel_loop3A_255 : i32 to index
        %parallel_loop3A_257 = arith.index_cast %parallel_loop3A_254 : i32 to index
        %parallel_loop3A_258 = tpu.vector_load %arg9[%parallel_loop3A_256, %parallel_loop3A_257] {strides = array<i32>} : memref<4x2048xi32, #tpu.memory_space<vmem>>, vector<16xi32>,
        %parallel_loop3A_259 = tpu.vector_load_idx %arg6[%parallel_loop3A_258] : memref<2048xf32, #tpu.memory_space<vmem>>[vector<16xi32>], vector<16xf32>,
        %parallel_loop3A_260 = arith.constant 2 : i32
        %parallel_loop3A_261 = arith.index_cast %parallel_loop3A_260 : i32 to index
        %parallel_loop3A_262 = arith.index_cast %parallel_loop3A_254 : i32 to index
        %parallel_loop3A_263 = tpu.vector_load %arg13[%parallel_loop3A_261, %parallel_loop3A_262] {strides = array<i32>} : memref<4x2048xf32, #tpu.memory_space<vmem>>, vector<16xf32>,
        tpu.vector_store %arg13[%parallel_loop3A_261, %parallel_loop3A_262], %parallel_loop3A_259 {strides = array<i32>} : memref<4x2048xf32, #tpu.memory_space<vmem>>, vector<16xf32>,
      } {sc.loop_unroll_factor = 16 : i64, sc.parallel_access}
      %parallel_loop3A_143 = arith.constant 0 : i32
      %parallel_loop3A_144 = arith.constant 2048 : i32
      %parallel_loop3A_145 = arith.constant 16 : i32
      scf.for %parallel_loop3A_254 = %parallel_loop3A_143 to %parallel_loop3A_144 step %parallel_loop3A_145  : i32 {
        %parallel_loop3A_255 = arith.constant 3 : i32
        %parallel_loop3A_256 = arith.index_cast %parallel_loop3A_255 : i32 to index
        %parallel_loop3A_257 = arith.index_cast %parallel_loop3A_254 : i32 to index
        %parallel_loop3A_258 = tpu.vector_load %arg9[%parallel_loop3A_256, %parallel_loop3A_257] {strides = array<i32>} : memref<4x2048xi32, #tpu.memory_space<vmem>>, vector<16xi32>,
        %parallel_loop3A_259 = tpu.vector_load_idx %arg6[%parallel_loop3A_258] : memref<2048xf32, #tpu.memory_space<vmem>>[vector<16xi32>], vector<16xf32>,
        %parallel_loop3A_260 = arith.constant 3 : i32
        %parallel_loop3A_261 = arith.index_cast %parallel_loop3A_260 : i32 to index
        %parallel_loop3A_262 = arith.index_cast %parallel_loop3A_254 : i32 to index
        %parallel_loop3A_263 = tpu.vector_load %arg13[%parallel_loop3A_261, %parallel_loop3A_262] {strides = array<i32>} : memref<4x2048xf32, #tpu.memory_space<vmem>>, vector<16xf32>,
        tpu.vector_store %arg13[%parallel_loop3A_261, %parallel_loop3A_262], %parallel_loop3A_259 {strides = array<i32>} : memref<4x2048xf32, #tpu.memory_space<vmem>>, vector<16xf32>,
      } {sc.loop_unroll_factor = 16 : i64, sc.parallel_access}
      %mul3A_146 = arith.constant 4 : i32
      %mul3A_147 = arith.muli %add3A_119, %mul3A_146 : i32
      %add3A_148 = arith.addi %mul3A_2, %mul3A_147 : i32
      %dma_start3A_149 = tpu.memref_reshape %arg5 : memref<2x8192x2048xf32, #tpu.memory_space<hbm>> -> memref<16384x2048xf32, #tpu.memory_space<hbm>>
      %dma_start3A_150 = arith.constant 0 : i32
      %dma_start3A_151 = tpu.memref_slice %dma_start3A_149[%add3A_148, %dma_start3A_150] : memref<16384x2048xf32, #tpu.memory_space<hbm>> -> memref<4x2048xf32, #tpu.memory_space<hbm>>
      %dma_start3A_152 = tpu.memref_reshape %arg5 : memref<2x8192x2048xf32, #tpu.memory_space<hbm>> -> memref<16384x2048xf32, #tpu.memory_space<hbm>>
      %dma_start3A_153 = arith.constant 0 : i32
      %dma_start3A_154 = tpu.memref_slice %dma_start3A_152[%add3A_148, %dma_start3A_153] : memref<16384x2048xf32, #tpu.memory_space<hbm>> -> memref<4x2048xf32, #tpu.memory_space<hbm>>
      tpu.enqueue_dma source(%arg13 : memref<4x2048xf32, #tpu.memory_space<vmem>>) target(%dma_start3A_154 : memref<4x2048xf32, #tpu.memory_space<hbm>>) target_semaphore(%arg21 : memref<!tpu.dma_semaphore, #tpu.memory_space<semaphore_mem>>)
      %add3A_155 = arith.constant 1 : i32
      %add3A_156 = arith.addi %scan3A_73, %add3A_155 : i32
      %lt3A_157 = arith.constant 32 : i32
      %lt3A_158 = arith.cmpi slt, %add3A_156, %lt3A_157 : i32
      %convert_element_type3A_159 = arith.extui %lt3A_158 : i1 to i32
      %cond3A_160 = arith.constant 0 : i32
      %cond3A_161 = arith.cmpi ne, %convert_element_type3A_159, %cond3A_160 : i32
      scf.if %cond3A_161 {
        %add3A_254 = arith.constant 4 : i32
        %add3A_255 = arith.addi %add3A_119, %add3A_254 : i32
        %mul3A_256 = arith.constant 4 : i32
        %mul3A_257 = arith.muli %add3A_255, %mul3A_256 : i32
        %add3A_258 = arith.addi %mul3A_2, %mul3A_257 : i32
        %dma_start3A_259 = tpu.memref_reshape %arg2 : memref<2x8192x2048xi32, #tpu.memory_space<hbm>> -> memref<16384x2048xi32, #tpu.memory_space<hbm>>
        %dma_start3A_260 = arith.constant 0 : i32
        %dma_start3A_261 = tpu.memref_slice %dma_start3A_259[%add3A_258, %dma_start3A_260] : memref<16384x2048xi32, #tpu.memory_space<hbm>> -> memref<4x2048xi32, #tpu.memory_space<hbm>>
        %dma_start3A_262 = tpu.memref_reshape %arg2 : memref<2x8192x2048xi32, #tpu.memory_space<hbm>> -> memref<16384x2048xi32, #tpu.memory_space<hbm>>
        %dma_start3A_263 = arith.constant 0 : i32
        %dma_start3A_264 = tpu.memref_slice %dma_start3A_262[%add3A_258, %dma_start3A_263] : memref<16384x2048xi32, #tpu.memory_space<hbm>> -> memref<4x2048xi32, #tpu.memory_space<hbm>>
        tpu.enqueue_dma source(%dma_start3A_264 : memref<4x2048xi32, #tpu.memory_space<hbm>>) target(%arg9 : memref<4x2048xi32, #tpu.memory_space<vmem>>) target_semaphore(%arg17 : memref<!tpu.dma_semaphore, #tpu.memory_space<semaphore_mem>>)
      } else {
      }
      %mul3A_162 = arith.constant 4 : i32
      %mul3A_163 = arith.muli %scan3A_73, %mul3A_162 : i32
      %add3A_164 = arith.constant 2 : i32
      %add3A_165 = arith.addi %mul3A_163, %add3A_164 : i32
      %mul3A_166 = arith.constant 4 : i32
      %mul3A_167 = arith.muli %add3A_165, %mul3A_166 : i32
      %add3A_168 = arith.addi %mul3A_2, %mul3A_167 : i32
      %dma_wait3A_169 = tpu.memref_reshape %arg2 : memref<2x8192x2048xi32, #tpu.memory_space<hbm>> -> memref<16384x2048xi32, #tpu.memory_space<hbm>>
      %dma_wait3A_170 = arith.constant 0 : i32
      %dma_wait3A_171 = tpu.memref_slice %dma_wait3A_169[%add3A_168, %dma_wait3A_170] : memref<16384x2048xi32, #tpu.memory_space<hbm>> -> memref<4x2048xi32, #tpu.memory_space<hbm>>
      %dma_wait3A_172 = tpu.memref_reshape %arg2 : memref<2x8192x2048xi32, #tpu.memory_space<hbm>> -> memref<16384x2048xi32, #tpu.memory_space<hbm>>
      %dma_wait3A_173 = arith.constant 0 : i32
      %dma_wait3A_174 = tpu.memref_slice %dma_wait3A_172[%add3A_168, %dma_wait3A_173] : memref<16384x2048xi32, #tpu.memory_space<hbm>> -> memref<4x2048xi32, #tpu.memory_space<hbm>>
      tpu.wait_dma2 semaphore(%arg18 : memref<!tpu.dma_semaphore, #tpu.memory_space<semaphore_mem>>) src(%dma_wait3A_174 : memref<4x2048xi32, #tpu.memory_space<hbm>>) dst(%arg10 : memref<4x2048xi32, #tpu.memory_space<vmem>>)
      %gt3A_175 = arith.constant 0 : i32
      %gt3A_176 = arith.cmpi sgt, %scan3A_73, %gt3A_175 : i32
      %convert_element_type3A_177 = arith.extui %gt3A_176 : i1 to i32
      %cond3A_178 = arith.constant 0 : i32
      %cond3A_179 = arith.cmpi ne, %convert_element_type3A_177, %cond3A_178 : i32
      scf.if %cond3A_179 {
        %sub3A = arith.constant 4 : i32
        %sub3A_254 = arith.subi %add3A_165, %sub3A : i32
        %mul3A_255 = arith.constant 4 : i32
        %mul3A_256 = arith.muli %sub3A_254, %mul3A_255 : i32
        %add3A_257 = arith.addi %mul3A_2, %mul3A_256 : i32
        %dma_wait3A_258 = tpu.memref_reshape %arg5 : memref<2x8192x2048xf32, #tpu.memory_space<hbm>> -> memref<16384x2048xf32, #tpu.memory_space<hbm>>
        %dma_wait3A_259 = arith.constant 0 : i32
        %dma_wait3A_260 = tpu.memref_slice %dma_wait3A_258[%add3A_257, %dma_wait3A_259] : memref<16384x2048xf32, #tpu.memory_space<hbm>> -> memref<4x2048xf32, #tpu.memory_space<hbm>>
        %dma_wait3A_261 = tpu.memref_reshape %arg5 : memref<2x8192x2048xf32, #tpu.memory_space<hbm>> -> memref<16384x2048xf32, #tpu.memory_space<hbm>>
        %dma_wait3A_262 = arith.constant 0 : i32
        %dma_wait3A_263 = tpu.memref_slice %dma_wait3A_261[%add3A_257, %dma_wait3A_262] : memref<16384x2048xf32, #tpu.memory_space<hbm>> -> memref<4x2048xf32, #tpu.memory_space<hbm>>
        tpu.wait_dma2 semaphore(%arg22 : memref<!tpu.dma_semaphore, #tpu.memory_space<semaphore_mem>>) src(%arg14 : memref<4x2048xf32, #tpu.memory_space<vmem>>) dst(%dma_wait3A_263 : memref<4x2048xf32, #tpu.memory_space<hbm>>)
      } else {
      }
      %parallel_loop3A_180 = arith.constant 0 : i32
      %parallel_loop3A_181 = arith.constant 2048 : i32
      %parallel_loop3A_182 = arith.constant 16 : i32
      scf.for %parallel_loop3A_254 = %parallel_loop3A_180 to %parallel_loop3A_181 step %parallel_loop3A_182  : i32 {
        %parallel_loop3A_255 = arith.constant 0 : i32
        %parallel_loop3A_256 = arith.index_cast %parallel_loop3A_255 : i32 to index
        %parallel_loop3A_257 = arith.index_cast %parallel_loop3A_254 : i32 to index
        %parallel_loop3A_258 = tpu.vector_load %arg10[%parallel_loop3A_256, %parallel_loop3A_257] {strides = array<i32>} : memref<4x2048xi32, #tpu.memory_space<vmem>>, vector<16xi32>,
        %parallel_loop3A_259 = tpu.vector_load_idx %arg6[%parallel_loop3A_258] : memref<2048xf32, #tpu.memory_space<vmem>>[vector<16xi32>], vector<16xf32>,
        %parallel_loop3A_260 = arith.constant 0 : i32
        %parallel_loop3A_261 = arith.index_cast %parallel_loop3A_260 : i32 to index
        %parallel_loop3A_262 = arith.index_cast %parallel_loop3A_254 : i32 to index
        %parallel_loop3A_263 = tpu.vector_load %arg14[%parallel_loop3A_261, %parallel_loop3A_262] {strides = array<i32>} : memref<4x2048xf32, #tpu.memory_space<vmem>>, vector<16xf32>,
        tpu.vector_store %arg14[%parallel_loop3A_261, %parallel_loop3A_262], %parallel_loop3A_259 {strides = array<i32>} : memref<4x2048xf32, #tpu.memory_space<vmem>>, vector<16xf32>,
      } {sc.loop_unroll_factor = 16 : i64, sc.parallel_access}
      %parallel_loop3A_183 = arith.constant 0 : i32
      %parallel_loop3A_184 = arith.constant 2048 : i32
      %parallel_loop3A_185 = arith.constant 16 : i32
      scf.for %parallel_loop3A_254 = %parallel_loop3A_183 to %parallel_loop3A_184 step %parallel_loop3A_185  : i32 {
        %parallel_loop3A_255 = arith.constant 1 : i32
        %parallel_loop3A_256 = arith.index_cast %parallel_loop3A_255 : i32 to index
        %parallel_loop3A_257 = arith.index_cast %parallel_loop3A_254 : i32 to index
        %parallel_loop3A_258 = tpu.vector_load %arg10[%parallel_loop3A_256, %parallel_loop3A_257] {strides = array<i32>} : memref<4x2048xi32, #tpu.memory_space<vmem>>, vector<16xi32>,
        %parallel_loop3A_259 = tpu.vector_load_idx %arg6[%parallel_loop3A_258] : memref<2048xf32, #tpu.memory_space<vmem>>[vector<16xi32>], vector<16xf32>,
        %parallel_loop3A_260 = arith.constant 1 : i32
        %parallel_loop3A_261 = arith.index_cast %parallel_loop3A_260 : i32 to index
        %parallel_loop3A_262 = arith.index_cast %parallel_loop3A_254 : i32 to index
        %parallel_loop3A_263 = tpu.vector_load %arg14[%parallel_loop3A_261, %parallel_loop3A_262] {strides = array<i32>} : memref<4x2048xf32, #tpu.memory_space<vmem>>, vector<16xf32>,
        tpu.vector_store %arg14[%parallel_loop3A_261, %parallel_loop3A_262], %parallel_loop3A_259 {strides = array<i32>} : memref<4x2048xf32, #tpu.memory_space<vmem>>, vector<16xf32>,
      } {sc.loop_unroll_factor = 16 : i64, sc.parallel_access}
      %parallel_loop3A_186 = arith.constant 0 : i32
      %parallel_loop3A_187 = arith.constant 2048 : i32
      %parallel_loop3A_188 = arith.constant 16 : i32
      scf.for %parallel_loop3A_254 = %parallel_loop3A_186 to %parallel_loop3A_187 step %parallel_loop3A_188  : i32 {
        %parallel_loop3A_255 = arith.constant 2 : i32
        %parallel_loop3A_256 = arith.index_cast %parallel_loop3A_255 : i32 to index
        %parallel_loop3A_257 = arith.index_cast %parallel_loop3A_254 : i32 to index
        %parallel_loop3A_258 = tpu.vector_load %arg10[%parallel_loop3A_256, %parallel_loop3A_257] {strides = array<i32>} : memref<4x2048xi32, #tpu.memory_space<vmem>>, vector<16xi32>,
        %parallel_loop3A_259 = tpu.vector_load_idx %arg6[%parallel_loop3A_258] : memref<2048xf32, #tpu.memory_space<vmem>>[vector<16xi32>], vector<16xf32>,
        %parallel_loop3A_260 = arith.constant 2 : i32
        %parallel_loop3A_261 = arith.index_cast %parallel_loop3A_260 : i32 to index
        %parallel_loop3A_262 = arith.index_cast %parallel_loop3A_254 : i32 to index
        %parallel_loop3A_263 = tpu.vector_load %arg14[%parallel_loop3A_261, %parallel_loop3A_262] {strides = array<i32>} : memref<4x2048xf32, #tpu.memory_space<vmem>>, vector<16xf32>,
        tpu.vector_store %arg14[%parallel_loop3A_261, %parallel_loop3A_262], %parallel_loop3A_259 {strides = array<i32>} : memref<4x2048xf32, #tpu.memory_space<vmem>>, vector<16xf32>,
      } {sc.loop_unroll_factor = 16 : i64, sc.parallel_access}
      %parallel_loop3A_189 = arith.constant 0 : i32
      %parallel_loop3A_190 = arith.constant 2048 : i32
      %parallel_loop3A_191 = arith.constant 16 : i32
      scf.for %parallel_loop3A_254 = %parallel_loop3A_189 to %parallel_loop3A_190 step %parallel_loop3A_191  : i32 {
        %parallel_loop3A_255 = arith.constant 3 : i32
        %parallel_loop3A_256 = arith.index_cast %parallel_loop3A_255 : i32 to index
        %parallel_loop3A_257 = arith.index_cast %parallel_loop3A_254 : i32 to index
        %parallel_loop3A_258 = tpu.vector_load %arg10[%parallel_loop3A_256, %parallel_loop3A_257] {strides = array<i32>} : memref<4x2048xi32, #tpu.memory_space<vmem>>, vector<16xi32>,
        %parallel_loop3A_259 = tpu.vector_load_idx %arg6[%parallel_loop3A_258] : memref<2048xf32, #tpu.memory_space<vmem>>[vector<16xi32>], vector<16xf32>,
        %parallel_loop3A_260 = arith.constant 3 : i32
        %parallel_loop3A_261 = arith.index_cast %parallel_loop3A_260 : i32 to index
        %parallel_loop3A_262 = arith.index_cast %parallel_loop3A_254 : i32 to index
        %parallel_loop3A_263 = tpu.vector_load %arg14[%parallel_loop3A_261, %parallel_loop3A_262] {strides = array<i32>} : memref<4x2048xf32, #tpu.memory_space<vmem>>, vector<16xf32>,
        tpu.vector_store %arg14[%parallel_loop3A_261, %parallel_loop3A_262], %parallel_loop3A_259 {strides = array<i32>} : memref<4x2048xf32, #tpu.memory_space<vmem>>, vector<16xf32>,
      } {sc.loop_unroll_factor = 16 : i64, sc.parallel_access}
      %mul3A_192 = arith.constant 4 : i32
      %mul3A_193 = arith.muli %add3A_165, %mul3A_192 : i32
      %add3A_194 = arith.addi %mul3A_2, %mul3A_193 : i32
      %dma_start3A_195 = tpu.memref_reshape %arg5 : memref<2x8192x2048xf32, #tpu.memory_space<hbm>> -> memref<16384x2048xf32, #tpu.memory_space<hbm>>
      %dma_start3A_196 = arith.constant 0 : i32
      %dma_start3A_197 = tpu.memref_slice %dma_start3A_195[%add3A_194, %dma_start3A_196] : memref<16384x2048xf32, #tpu.memory_space<hbm>> -> memref<4x2048xf32, #tpu.memory_space<hbm>>
      %dma_start3A_198 = tpu.memref_reshape %arg5 : memref<2x8192x2048xf32, #tpu.memory_space<hbm>> -> memref<16384x2048xf32, #tpu.memory_space<hbm>>
      %dma_start3A_199 = arith.constant 0 : i32
      %dma_start3A_200 = tpu.memref_slice %dma_start3A_198[%add3A_194, %dma_start3A_199] : memref<16384x2048xf32, #tpu.memory_space<hbm>> -> memref<4x2048xf32, #tpu.memory_space<hbm>>
      tpu.enqueue_dma source(%arg14 : memref<4x2048xf32, #tpu.memory_space<vmem>>) target(%dma_start3A_200 : memref<4x2048xf32, #tpu.memory_space<hbm>>) target_semaphore(%arg22 : memref<!tpu.dma_semaphore, #tpu.memory_space<semaphore_mem>>)
      %add3A_201 = arith.constant 1 : i32
      %add3A_202 = arith.addi %scan3A_73, %add3A_201 : i32
      %lt3A_203 = arith.constant 32 : i32
      %lt3A_204 = arith.cmpi slt, %add3A_202, %lt3A_203 : i32
      %convert_element_type3A_205 = arith.extui %lt3A_204 : i1 to i32
      %cond3A_206 = arith.constant 0 : i32
      %cond3A_207 = arith.cmpi ne, %convert_element_type3A_205, %cond3A_206 : i32
      scf.if %cond3A_207 {
        %add3A_254 = arith.constant 4 : i32
        %add3A_255 = arith.addi %add3A_165, %add3A_254 : i32
        %mul3A_256 = arith.constant 4 : i32
        %mul3A_257 = arith.muli %add3A_255, %mul3A_256 : i32
        %add3A_258 = arith.addi %mul3A_2, %mul3A_257 : i32
        %dma_start3A_259 = tpu.memref_reshape %arg2 : memref<2x8192x2048xi32, #tpu.memory_space<hbm>> -> memref<16384x2048xi32, #tpu.memory_space<hbm>>
        %dma_start3A_260 = arith.constant 0 : i32
        %dma_start3A_261 = tpu.memref_slice %dma_start3A_259[%add3A_258, %dma_start3A_260] : memref<16384x2048xi32, #tpu.memory_space<hbm>> -> memref<4x2048xi32, #tpu.memory_space<hbm>>
        %dma_start3A_262 = tpu.memref_reshape %arg2 : memref<2x8192x2048xi32, #tpu.memory_space<hbm>> -> memref<16384x2048xi32, #tpu.memory_space<hbm>>
        %dma_start3A_263 = arith.constant 0 : i32
        %dma_start3A_264 = tpu.memref_slice %dma_start3A_262[%add3A_258, %dma_start3A_263] : memref<16384x2048xi32, #tpu.memory_space<hbm>> -> memref<4x2048xi32, #tpu.memory_space<hbm>>
        tpu.enqueue_dma source(%dma_start3A_264 : memref<4x2048xi32, #tpu.memory_space<hbm>>) target(%arg10 : memref<4x2048xi32, #tpu.memory_space<vmem>>) target_semaphore(%arg18 : memref<!tpu.dma_semaphore, #tpu.memory_space<semaphore_mem>>)
      } else {
      }
      %mul3A_208 = arith.constant 4 : i32
      %mul3A_209 = arith.muli %scan3A_73, %mul3A_208 : i32
      %add3A_210 = arith.constant 3 : i32
      %add3A_211 = arith.addi %mul3A_209, %add3A_210 : i32
      %mul3A_212 = arith.constant 4 : i32
      %mul3A_213 = arith.muli %add3A_211, %mul3A_212 : i32
      %add3A_214 = arith.addi %mul3A_2, %mul3A_213 : i32
      %dma_wait3A_215 = tpu.memref_reshape %arg2 : memref<2x8192x2048xi32, #tpu.memory_space<hbm>> -> memref<16384x2048xi32, #tpu.memory_space<hbm>>
      %dma_wait3A_216 = arith.constant 0 : i32
      %dma_wait3A_217 = tpu.memref_slice %dma_wait3A_215[%add3A_214, %dma_wait3A_216] : memref<16384x2048xi32, #tpu.memory_space<hbm>> -> memref<4x2048xi32, #tpu.memory_space<hbm>>
      %dma_wait3A_218 = tpu.memref_reshape %arg2 : memref<2x8192x2048xi32, #tpu.memory_space<hbm>> -> memref<16384x2048xi32, #tpu.memory_space<hbm>>
      %dma_wait3A_219 = arith.constant 0 : i32
      %dma_wait3A_220 = tpu.memref_slice %dma_wait3A_218[%add3A_214, %dma_wait3A_219] : memref<16384x2048xi32, #tpu.memory_space<hbm>> -> memref<4x2048xi32, #tpu.memory_space<hbm>>
      tpu.wait_dma2 semaphore(%arg19 : memref<!tpu.dma_semaphore, #tpu.memory_space<semaphore_mem>>) src(%dma_wait3A_220 : memref<4x2048xi32, #tpu.memory_space<hbm>>) dst(%arg11 : memref<4x2048xi32, #tpu.memory_space<vmem>>)
      %gt3A_221 = arith.constant 0 : i32
      %gt3A_222 = arith.cmpi sgt, %scan3A_73, %gt3A_221 : i32
      %convert_element_type3A_223 = arith.extui %gt3A_222 : i1 to i32
      %cond3A_224 = arith.constant 0 : i32
      %cond3A_225 = arith.cmpi ne, %convert_element_type3A_223, %cond3A_224 : i32
      scf.if %cond3A_225 {
        %sub3A = arith.constant 4 : i32
        %sub3A_254 = arith.subi %add3A_211, %sub3A : i32
        %mul3A_255 = arith.constant 4 : i32
        %mul3A_256 = arith.muli %sub3A_254, %mul3A_255 : i32
        %add3A_257 = arith.addi %mul3A_2, %mul3A_256 : i32
        %dma_wait3A_258 = tpu.memref_reshape %arg5 : memref<2x8192x2048xf32, #tpu.memory_space<hbm>> -> memref<16384x2048xf32, #tpu.memory_space<hbm>>
        %dma_wait3A_259 = arith.constant 0 : i32
        %dma_wait3A_260 = tpu.memref_slice %dma_wait3A_258[%add3A_257, %dma_wait3A_259] : memref<16384x2048xf32, #tpu.memory_space<hbm>> -> memref<4x2048xf32, #tpu.memory_space<hbm>>
        %dma_wait3A_261 = tpu.memref_reshape %arg5 : memref<2x8192x2048xf32, #tpu.memory_space<hbm>> -> memref<16384x2048xf32, #tpu.memory_space<hbm>>
        %dma_wait3A_262 = arith.constant 0 : i32
        %dma_wait3A_263 = tpu.memref_slice %dma_wait3A_261[%add3A_257, %dma_wait3A_262] : memref<16384x2048xf32, #tpu.memory_space<hbm>> -> memref<4x2048xf32, #tpu.memory_space<hbm>>
        tpu.wait_dma2 semaphore(%arg23 : memref<!tpu.dma_semaphore, #tpu.memory_space<semaphore_mem>>) src(%arg15 : memref<4x2048xf32, #tpu.memory_space<vmem>>) dst(%dma_wait3A_263 : memref<4x2048xf32, #tpu.memory_space<hbm>>)
      } else {
      }
      %parallel_loop3A_226 = arith.constant 0 : i32
      %parallel_loop3A_227 = arith.constant 2048 : i32
      %parallel_loop3A_228 = arith.constant 16 : i32
      scf.for %parallel_loop3A_254 = %parallel_loop3A_226 to %parallel_loop3A_227 step %parallel_loop3A_228  : i32 {
        %parallel_loop3A_255 = arith.constant 0 : i32
        %parallel_loop3A_256 = arith.index_cast %parallel_loop3A_255 : i32 to index
        %parallel_loop3A_257 = arith.index_cast %parallel_loop3A_254 : i32 to index
        %parallel_loop3A_258 = tpu.vector_load %arg11[%parallel_loop3A_256, %parallel_loop3A_257] {strides = array<i32>} : memref<4x2048xi32, #tpu.memory_space<vmem>>, vector<16xi32>,
        %parallel_loop3A_259 = tpu.vector_load_idx %arg6[%parallel_loop3A_258] : memref<2048xf32, #tpu.memory_space<vmem>>[vector<16xi32>], vector<16xf32>,
        %parallel_loop3A_260 = arith.constant 0 : i32
        %parallel_loop3A_261 = arith.index_cast %parallel_loop3A_260 : i32 to index
        %parallel_loop3A_262 = arith.index_cast %parallel_loop3A_254 : i32 to index
        %parallel_loop3A_263 = tpu.vector_load %arg15[%parallel_loop3A_261, %parallel_loop3A_262] {strides = array<i32>} : memref<4x2048xf32, #tpu.memory_space<vmem>>, vector<16xf32>,
        tpu.vector_store %arg15[%parallel_loop3A_261, %parallel_loop3A_262], %parallel_loop3A_259 {strides = array<i32>} : memref<4x2048xf32, #tpu.memory_space<vmem>>, vector<16xf32>,
      } {sc.loop_unroll_factor = 16 : i64, sc.parallel_access}
      %parallel_loop3A_229 = arith.constant 0 : i32
      %parallel_loop3A_230 = arith.constant 2048 : i32
      %parallel_loop3A_231 = arith.constant 16 : i32
      scf.for %parallel_loop3A_254 = %parallel_loop3A_229 to %parallel_loop3A_230 step %parallel_loop3A_231  : i32 {
        %parallel_loop3A_255 = arith.constant 1 : i32
        %parallel_loop3A_256 = arith.index_cast %parallel_loop3A_255 : i32 to index
        %parallel_loop3A_257 = arith.index_cast %parallel_loop3A_254 : i32 to index
        %parallel_loop3A_258 = tpu.vector_load %arg11[%parallel_loop3A_256, %parallel_loop3A_257] {strides = array<i32>} : memref<4x2048xi32, #tpu.memory_space<vmem>>, vector<16xi32>,
        %parallel_loop3A_259 = tpu.vector_load_idx %arg6[%parallel_loop3A_258] : memref<2048xf32, #tpu.memory_space<vmem>>[vector<16xi32>], vector<16xf32>,
        %parallel_loop3A_260 = arith.constant 1 : i32
        %parallel_loop3A_261 = arith.index_cast %parallel_loop3A_260 : i32 to index
        %parallel_loop3A_262 = arith.index_cast %parallel_loop3A_254 : i32 to index
        %parallel_loop3A_263 = tpu.vector_load %arg15[%parallel_loop3A_261, %parallel_loop3A_262] {strides = array<i32>} : memref<4x2048xf32, #tpu.memory_space<vmem>>, vector<16xf32>,
        tpu.vector_store %arg15[%parallel_loop3A_261, %parallel_loop3A_262], %parallel_loop3A_259 {strides = array<i32>} : memref<4x2048xf32, #tpu.memory_space<vmem>>, vector<16xf32>,
      } {sc.loop_unroll_factor = 16 : i64, sc.parallel_access}
      %parallel_loop3A_232 = arith.constant 0 : i32
      %parallel_loop3A_233 = arith.constant 2048 : i32
      %parallel_loop3A_234 = arith.constant 16 : i32
      scf.for %parallel_loop3A_254 = %parallel_loop3A_232 to %parallel_loop3A_233 step %parallel_loop3A_234  : i32 {
        %parallel_loop3A_255 = arith.constant 2 : i32
        %parallel_loop3A_256 = arith.index_cast %parallel_loop3A_255 : i32 to index
        %parallel_loop3A_257 = arith.index_cast %parallel_loop3A_254 : i32 to index
        %parallel_loop3A_258 = tpu.vector_load %arg11[%parallel_loop3A_256, %parallel_loop3A_257] {strides = array<i32>} : memref<4x2048xi32, #tpu.memory_space<vmem>>, vector<16xi32>,
        %parallel_loop3A_259 = tpu.vector_load_idx %arg6[%parallel_loop3A_258] : memref<2048xf32, #tpu.memory_space<vmem>>[vector<16xi32>], vector<16xf32>,
        %parallel_loop3A_260 = arith.constant 2 : i32
        %parallel_loop3A_261 = arith.index_cast %parallel_loop3A_260 : i32 to index
        %parallel_loop3A_262 = arith.index_cast %parallel_loop3A_254 : i32 to index
        %parallel_loop3A_263 = tpu.vector_load %arg15[%parallel_loop3A_261, %parallel_loop3A_262] {strides = array<i32>} : memref<4x2048xf32, #tpu.memory_space<vmem>>, vector<16xf32>,
        tpu.vector_store %arg15[%parallel_loop3A_261, %parallel_loop3A_262], %parallel_loop3A_259 {strides = array<i32>} : memref<4x2048xf32, #tpu.memory_space<vmem>>, vector<16xf32>,
      } {sc.loop_unroll_factor = 16 : i64, sc.parallel_access}
      %parallel_loop3A_235 = arith.constant 0 : i32
      %parallel_loop3A_236 = arith.constant 2048 : i32
      %parallel_loop3A_237 = arith.constant 16 : i32
      scf.for %parallel_loop3A_254 = %parallel_loop3A_235 to %parallel_loop3A_236 step %parallel_loop3A_237  : i32 {
        %parallel_loop3A_255 = arith.constant 3 : i32
        %parallel_loop3A_256 = arith.index_cast %parallel_loop3A_255 : i32 to index
        %parallel_loop3A_257 = arith.index_cast %parallel_loop3A_254 : i32 to index
        %parallel_loop3A_258 = tpu.vector_load %arg11[%parallel_loop3A_256, %parallel_loop3A_257] {strides = array<i32>} : memref<4x2048xi32, #tpu.memory_space<vmem>>, vector<16xi32>,
        %parallel_loop3A_259 = tpu.vector_load_idx %arg6[%parallel_loop3A_258] : memref<2048xf32, #tpu.memory_space<vmem>>[vector<16xi32>], vector<16xf32>,
        %parallel_loop3A_260 = arith.constant 3 : i32
        %parallel_loop3A_261 = arith.index_cast %parallel_loop3A_260 : i32 to index
        %parallel_loop3A_262 = arith.index_cast %parallel_loop3A_254 : i32 to index
        %parallel_loop3A_263 = tpu.vector_load %arg15[%parallel_loop3A_261, %parallel_loop3A_262] {strides = array<i32>} : memref<4x2048xf32, #tpu.memory_space<vmem>>, vector<16xf32>,
        tpu.vector_store %arg15[%parallel_loop3A_261, %parallel_loop3A_262], %parallel_loop3A_259 {strides = array<i32>} : memref<4x2048xf32, #tpu.memory_space<vmem>>, vector<16xf32>,
      } {sc.loop_unroll_factor = 16 : i64, sc.parallel_access}
      %mul3A_238 = arith.constant 4 : i32
      %mul3A_239 = arith.muli %add3A_211, %mul3A_238 : i32
      %add3A_240 = arith.addi %mul3A_2, %mul3A_239 : i32
      %dma_start3A_241 = tpu.memref_reshape %arg5 : memref<2x8192x2048xf32, #tpu.memory_space<hbm>> -> memref<16384x2048xf32, #tpu.memory_space<hbm>>
      %dma_start3A_242 = arith.constant 0 : i32
      %dma_start3A_243 = tpu.memref_slice %dma_start3A_241[%add3A_240, %dma_start3A_242] : memref<16384x2048xf32, #tpu.memory_space<hbm>> -> memref<4x2048xf32, #tpu.memory_space<hbm>>
      %dma_start3A_244 = tpu.memref_reshape %arg5 : memref<2x8192x2048xf32, #tpu.memory_space<hbm>> -> memref<16384x2048xf32, #tpu.memory_space<hbm>>
      %dma_start3A_245 = arith.constant 0 : i32
      %dma_start3A_246 = tpu.memref_slice %dma_start3A_244[%add3A_240, %dma_start3A_245] : memref<16384x2048xf32, #tpu.memory_space<hbm>> -> memref<4x2048xf32, #tpu.memory_space<hbm>>
      tpu.enqueue_dma source(%arg15 : memref<4x2048xf32, #tpu.memory_space<vmem>>) target(%dma_start3A_246 : memref<4x2048xf32, #tpu.memory_space<hbm>>) target_semaphore(%arg23 : memref<!tpu.dma_semaphore, #tpu.memory_space<semaphore_mem>>)
      %add3A_247 = arith.constant 1 : i32
      %add3A_248 = arith.addi %scan3A_73, %add3A_247 : i32
      %lt3A_249 = arith.constant 32 : i32
      %lt3A_250 = arith.cmpi slt, %add3A_248, %lt3A_249 : i32
      %convert_element_type3A_251 = arith.extui %lt3A_250 : i1 to i32
      %cond3A_252 = arith.constant 0 : i32
      %cond3A_253 = arith.cmpi ne, %convert_element_type3A_251, %cond3A_252 : i32
      scf.if %cond3A_253 {
        %add3A_254 = arith.constant 4 : i32
        %add3A_255 = arith.addi %add3A_211, %add3A_254 : i32
        %mul3A_256 = arith.constant 4 : i32
        %mul3A_257 = arith.muli %add3A_255, %mul3A_256 : i32
        %add3A_258 = arith.addi %mul3A_2, %mul3A_257 : i32
        %dma_start3A_259 = tpu.memref_reshape %arg2 : memref<2x8192x2048xi32, #tpu.memory_space<hbm>> -> memref<16384x2048xi32, #tpu.memory_space<hbm>>
        %dma_start3A_260 = arith.constant 0 : i32
        %dma_start3A_261 = tpu.memref_slice %dma_start3A_259[%add3A_258, %dma_start3A_260] : memref<16384x2048xi32, #tpu.memory_space<hbm>> -> memref<4x2048xi32, #tpu.memory_space<hbm>>
        %dma_start3A_262 = tpu.memref_reshape %arg2 : memref<2x8192x2048xi32, #tpu.memory_space<hbm>> -> memref<16384x2048xi32, #tpu.memory_space<hbm>>
        %dma_start3A_263 = arith.constant 0 : i32
        %dma_start3A_264 = tpu.memref_slice %dma_start3A_262[%add3A_258, %dma_start3A_263] : memref<16384x2048xi32, #tpu.memory_space<hbm>> -> memref<4x2048xi32, #tpu.memory_space<hbm>>
        tpu.enqueue_dma source(%dma_start3A_264 : memref<4x2048xi32, #tpu.memory_space<hbm>>) target(%arg11 : memref<4x2048xi32, #tpu.memory_space<vmem>>) target_semaphore(%arg19 : memref<!tpu.dma_semaphore, #tpu.memory_space<semaphore_mem>>)
      } else {
      }
    }
    %scan3A_41 = arith.constant 32 : i32
    %add3A_42 = arith.constant 496 : i32
    %add3A_43 = arith.addi %mul3A_2, %add3A_42 : i32
    %dma_wait3A = tpu.memref_reshape %arg5 : memref<2x8192x2048xf32, #tpu.memory_space<hbm>> -> memref<16384x2048xf32, #tpu.memory_space<hbm>>
    %dma_wait3A_44 = arith.constant 0 : i32
    %dma_wait3A_45 = tpu.memref_slice %dma_wait3A[%add3A_43, %dma_wait3A_44] : memref<16384x2048xf32, #tpu.memory_space<hbm>> -> memref<4x2048xf32, #tpu.memory_space<hbm>>
    %dma_wait3A_46 = tpu.memref_reshape %arg5 : memref<2x8192x2048xf32, #tpu.memory_space<hbm>> -> memref<16384x2048xf32, #tpu.memory_space<hbm>>
    %dma_wait3A_47 = arith.constant 0 : i32
    %dma_wait3A_48 = tpu.memref_slice %dma_wait3A_46[%add3A_43, %dma_wait3A_47] : memref<16384x2048xf32, #tpu.memory_space<hbm>> -> memref<4x2048xf32, #tpu.memory_space<hbm>>
    tpu.wait_dma2 semaphore(%arg20 : memref<!tpu.dma_semaphore, #tpu.memory_space<semaphore_mem>>) src(%arg12 : memref<4x2048xf32, #tpu.memory_space<vmem>>) dst(%dma_wait3A_48 : memref<4x2048xf32, #tpu.memory_space<hbm>>)
    %add3A_49 = arith.constant 500 : i32
    %add3A_50 = arith.addi %mul3A_2, %add3A_49 : i32
    %dma_wait3A_51 = tpu.memref_reshape %arg5 : memref<2x8192x2048xf32, #tpu.memory_space<hbm>> -> memref<16384x2048xf32, #tpu.memory_space<hbm>>
    %dma_wait3A_52 = arith.constant 0 : i32
    %dma_wait3A_53 = tpu.memref_slice %dma_wait3A_51[%add3A_50, %dma_wait3A_52] : memref<16384x2048xf32, #tpu.memory_space<hbm>> -> memref<4x2048xf32, #tpu.memory_space<hbm>>
    %dma_wait3A_54 = tpu.memref_reshape %arg5 : memref<2x8192x2048xf32, #tpu.memory_space<hbm>> -> memref<16384x2048xf32, #tpu.memory_space<hbm>>
    %dma_wait3A_55 = arith.constant 0 : i32
    %dma_wait3A_56 = tpu.memref_slice %dma_wait3A_54[%add3A_50, %dma_wait3A_55] : memref<16384x2048xf32, #tpu.memory_space<hbm>> -> memref<4x2048xf32, #tpu.memory_space<hbm>>
    tpu.wait_dma2 semaphore(%arg21 : memref<!tpu.dma_semaphore, #tpu.memory_space<semaphore_mem>>) src(%arg13 : memref<4x2048xf32, #tpu.memory_space<vmem>>) dst(%dma_wait3A_56 : memref<4x2048xf32, #tpu.memory_space<hbm>>)
    %add3A_57 = arith.constant 504 : i32
    %add3A_58 = arith.addi %mul3A_2, %add3A_57 : i32
    %dma_wait3A_59 = tpu.memref_reshape %arg5 : memref<2x8192x2048xf32, #tpu.memory_space<hbm>> -> memref<16384x2048xf32, #tpu.memory_space<hbm>>
    %dma_wait3A_60 = arith.constant 0 : i32
    %dma_wait3A_61 = tpu.memref_slice %dma_wait3A_59[%add3A_58, %dma_wait3A_60] : memref<16384x2048xf32, #tpu.memory_space<hbm>> -> memref<4x2048xf32, #tpu.memory_space<hbm>>
    %dma_wait3A_62 = tpu.memref_reshape %arg5 : memref<2x8192x2048xf32, #tpu.memory_space<hbm>> -> memref<16384x2048xf32, #tpu.memory_space<hbm>>
    %dma_wait3A_63 = arith.constant 0 : i32
    %dma_wait3A_64 = tpu.memref_slice %dma_wait3A_62[%add3A_58, %dma_wait3A_63] : memref<16384x2048xf32, #tpu.memory_space<hbm>> -> memref<4x2048xf32, #tpu.memory_space<hbm>>
    tpu.wait_dma2 semaphore(%arg22 : memref<!tpu.dma_semaphore, #tpu.memory_space<semaphore_mem>>) src(%arg14 : memref<4x2048xf32, #tpu.memory_space<vmem>>) dst(%dma_wait3A_64 : memref<4x2048xf32, #tpu.memory_space<hbm>>)
    %add3A_65 = arith.constant 508 : i32
    %add3A_66 = arith.addi %mul3A_2, %add3A_65 : i32
    %dma_wait3A_67 = tpu.memref_reshape %arg5 : memref<2x8192x2048xf32, #tpu.memory_space<hbm>> -> memref<16384x2048xf32, #tpu.memory_space<hbm>>
    %dma_wait3A_68 = arith.constant 0 : i32
    %dma_wait3A_69 = tpu.memref_slice %dma_wait3A_67[%add3A_66, %dma_wait3A_68] : memref<16384x2048xf32, #tpu.memory_space<hbm>> -> memref<4x2048xf32, #tpu.memory_space<hbm>>
    %dma_wait3A_70 = tpu.memref_reshape %arg5 : memref<2x8192x2048xf32, #tpu.memory_space<hbm>> -> memref<16384x2048xf32, #tpu.memory_space<hbm>>
    %dma_wait3A_71 = arith.constant 0 : i32
    %dma_wait3A_72 = tpu.memref_slice %dma_wait3A_70[%add3A_66, %dma_wait3A_71] : memref<16384x2048xf32, #tpu.memory_space<hbm>> -> memref<4x2048xf32, #tpu.memory_space<hbm>>
    tpu.wait_dma2 semaphore(%arg23 : memref<!tpu.dma_semaphore, #tpu.memory_space<semaphore_mem>>) src(%arg15 : memref<4x2048xf32, #tpu.memory_space<vmem>>) dst(%dma_wait3A_72 : memref<4x2048xf32, #tpu.memory_space<hbm>>)
    return
  }
}

</mosaic_0001>

<sc_bundles>
// kernel: kernel.3.cloned.1.call-start
scs
__scs_entry_jumppad:
0x0: {  	(pc) =	sbr.rel $0x88, $3  }
0x1: {  	(tag) =	ssettag $0x0;
	lr =	simm.s32 $0x1  }
0x2: {  	[smem:$0x3F9E] =	sst lr;
	_ =	strace $0xD0000000  }
0x3: {  	_ = 	snop  }
0x4: {  	_ = 	snop  }
0x5: {  	_ = 	snop  }
0x6: {  	_ = 	snop  }
0x7: {  	_ = 	snop  }
__scs_overlays_trampoline_lowered:
0x8: {  	[smem:$0x3FAD] =	sst s0  }
0x9: {  	[smem:$0x3FAE] =	sst s1  }
0xa: {  	[smem:$0x3FAF] =	sst s2  }
0xb: {  	[smem:$0x3FB0] =	sst s3  }
0xc: {  	[smem:$0x3FB1] =	sst s4  }
0xd: {  	[smem:$0x3FB2] =	sst s5  }
0xe: {  	[smem:$0x3FB3] =	sst s6  }
0xf: {  	[smem:$0x3FB4] =	sst s7  }
0x10: {  	[smem:$0x3FB5] =	sst s8  }
0x11: {  	[smem:$0x3FB6] =	sst s9;
	s0 =	simm.s32 @!p0 $0x0  }
0x12: {  	s1 =	sld [smem:$0x3F9C];
	s0 =	simm.s32 @p0 $0x1  }
0x13: {  	[smem:$0x3FB7] =	sst s0;
	s0 =	simm.s32 @!p1 $0x0  }
0x14: {  	s2 =	sld [smem:$0x3F9B];
	s0 =	simm.s32 @p1 $0x1  }
0x15: {  	[smem:$0x3FB8] =	sst s0;
	s0 =	simm.s32 @!p2 $0x0  }
0x16: {  	s3 =	sld [smem:$0x3FDB];
	s0 =	simm.s32 @p2 $0x1  }
0x17: {  	s4 =	simm.s32 $0x1BF5;
	[smem:$0x3FBA] =	sst s0  }
0x18: {  	s0 =	sld [smem:$0x3F9D];
	_ =	swait.ge [sflag:s4], $0x0  }
0x19: {  	s7 =	sld [smem:$0x3F9E]  }
0x1a: {  	s8 =	sadd.s32 $0xFFFFE003, lr  }
0x1b: {  	s9 =	sadd.s32 $0xFFFFFEF7, lr;
	s5 =	simm.s32 $0xFFFFFFFF;
	p2 =	slt.u32 s8, $0xFFFFF086  }
0x1c: {  	p1 =	slt.u32 s9, $0xF7A;
	s5 =	simm.s32 @!p2 $0x0  }
0x1d: {  	s5 =	simm.s32 @p1 $0x1;
	p0 =	seq.s32 s7, s2  }
0x1e: {  	s7 =	smul.u32 @!p0 $0xF7A, s2;
	p2 =	seq.s32 @!p0 s5, $0x0  }
0x1f: {  	s9 =	smul.u32 $0xF7A, s1;
	s8 =	simm.s32 @!p0 $0x1BF5;
	p2 =	por !p2, p0  }
0x20: {  	[sflag:s8] =	ssyncset.s32 @!p0 $0xFFFFF086;
	s6 =	sadd.s32 @!p0 s3, s7;
	s7 =	simm.s32 @!p0 $0x108  }
0x21: {  	s3 =	sadd.s32 s3, s9;
	s6 =	sadd.s32 @!p0 $0x88, s6;
	s7 =	simm.s32 @p2 $0x1082  }
0x22: {  	[simem:s7], [sflag:s8] =	dma.local @!p0 [hbm:s6], $0xF7A  }
0x23: {  	s9 =	sor.u32 $0xD0000000, s2;
	s6 =	simm.s32 $0x108;
	_ =	swait.ge @!p0 [sflag:s8], $0x0  }
0x24: {  	s3 =	sadd.s32 $0x88, s3;
	s6 =	simm.s32 @!p1 $0x1082;
	[sflag:s4] =	ssyncset.s32 $0xFFFFF086  }
0x25: {  	[simem:s6], [sflag:s4] =	dma.local [hbm:s3], $0xF7A  }
0x26: {  	[smem:$0x3F9E] =	sst s1;
	(tag) =	ssettag s2;
	_ =	strace s9  }
0x27: {  	s1 =	sld [smem:$0x3FAE]  }
0x28: {  	s2 =	sld [smem:$0x3FAF]  }
0x29: {  	s4 =	sld [smem:$0x3FB1]  }
0x2a: {  	p0 =	seq.s32 s5, $0x0;
	s5 =	sld [smem:$0x3FB2]  }
0x2b: {  	s6 =	sld [smem:$0x3FB3]  }
0x2c: {  	s7 =	sld [smem:$0x3FB4]  }
0x2d: {  	s3 =	simm.s32 $0x108;
	s8 =	sld [smem:$0x3FB5]  }
0x2e: {  	s3 =	simm.s32 @!p0 $0x1082;
	s9 =	sld [smem:$0x3FB6]  }
0x2f: {  	lr =	sadd.s32 s0, s3;
	s0 =	sld [smem:$0x3FAD]  }
0x30: {  	s3 =	sld [smem:$0x3FB0]  }
0x31: {  	[smem:$0x3FB9] =	sst s10  }
0x32: {  	s10 =	sld [smem:$0x3FB7];
	_ =	sdelay $0x3  }
0x33: {  	p0 =	seq.s32 s10, $0x1;
	s10 =	sld [smem:$0x3FB9];
	_ =	sdelay $0x3  }
0x34: {  	[smem:$0x3FB9] =	sst s10  }
0x35: {  	s10 =	sld [smem:$0x3FB8];
	_ =	sdelay $0x3  }
0x36: {  	p1 =	seq.s32 s10, $0x1;
	s10 =	sld [smem:$0x3FB9];
	_ =	sdelay $0x3  }
0x37: {  	[smem:$0x3FB9] =	sst s10  }
0x38: {  	s10 =	sld [smem:$0x3FBA]  }
0x39: {  	_ = 	snop;
	(pc) =	sbr.ind lr, $3  }
0x3a: {  	_ = 	snop  }
0x3b: {  	_ = 	snop  }
0x3c: {  	p2 =	seq.s32 s10, $0x1;
	s10 =	sld [smem:$0x3FB9]  }
0x3d: {  	_ =	shalt  }
0x3e: {  	_ =	shalt  }
0x3f: {  	_ =	shalt  }
0x40: {  	_ =	shalt  }
0x41: {  	_ =	shalt  }
0x42: {  	_ =	shalt  }
0x43: {  	_ =	shalt  }
0x44: {  	_ =	shalt  }
0x45: {  	_ =	shalt  }
0x46: {  	_ =	shalt  }
0x47: {  	_ =	shalt  }
0x48: {  	_ =	shalt  }
0x49: {  	_ =	shalt  }
0x4a: {  	_ =	shalt  }
0x4b: {  	_ =	shalt  }
0x4c: {  	_ =	shalt  }
0x4d: {  	_ =	shalt  }
0x4e: {  	_ =	shalt  }
0x4f: {  	_ =	shalt  }
0x50: {  	_ =	shalt  }
0x51: {  	_ =	shalt  }
0x52: {  	_ =	shalt  }
0x53: {  	_ =	shalt  }
0x54: {  	_ =	shalt  }
0x55: {  	_ =	shalt  }
0x56: {  	_ =	shalt  }
0x57: {  	_ =	shalt  }
0x58: {  	_ =	shalt  }
0x59: {  	_ =	shalt  }
0x5a: {  	_ =	shalt  }
0x5b: {  	_ =	shalt  }
0x5c: {  	_ =	shalt  }
0x5d: {  	_ =	shalt  }
0x5e: {  	_ =	shalt  }
0x5f: {  	_ =	shalt  }
0x60: {  	_ =	shalt  }
0x61: {  	_ =	shalt  }
0x62: {  	_ =	shalt  }
0x63: {  	_ =	shalt  }
0x64: {  	_ =	shalt  }
0x65: {  	_ =	shalt  }
0x66: {  	_ =	shalt  }
0x67: {  	_ =	shalt  }
0x68: {  	_ =	shalt  }
0x69: {  	_ =	shalt  }
0x6a: {  	_ =	shalt  }
0x6b: {  	_ =	shalt  }
0x6c: {  	_ =	shalt  }
0x6d: {  	_ =	shalt  }
0x6e: {  	_ =	shalt  }
0x6f: {  	_ =	shalt  }
0x70: {  	_ =	shalt  }
0x71: {  	_ =	shalt  }
0x72: {  	_ =	shalt  }
0x73: {  	_ =	shalt  }
0x74: {  	_ =	shalt  }
0x75: {  	_ =	shalt  }
0x76: {  	_ =	shalt  }
0x77: {  	_ =	shalt  }
0x78: {  	_ =	shalt  }
0x79: {  	_ =	shalt  }
0x7a: {  	_ =	shalt  }
0x7b: {  	_ =	shalt  }
0x7c: {  	_ =	shalt  }
0x7d: {  	_ =	shalt  }
0x7e: {  	_ =	shalt  }
0x7f: {  	_ =	shalt  }
0x80: {  	_ =	shalt  }
0x81: {  	_ =	shalt  }
0x82: {  	_ =	shalt  }
0x83: {  	_ =	shalt  }
0x84: {  	_ =	shalt  }
0x85: {  	_ =	shalt  }
0x86: {  	_ =	shalt  }
0x87: {  	_ =	shalt  }
.Lfunc_end0:
.L_simem_size_0:
called_computation_lowered:
.L_overlay_start_0:
0x88: {  	s2 =	sld [smem:$0x3FD9]  }
0x89: {  	s3 =	sld [smem:$0x3FFE];
	_ =	sdelay $0x1  }
0x8a: {  	s1 =	srdreg.scid  }
0x8b: {  	s0 =	sand.u32 $0x1, s1  }
0x8c: {  	s17 =	sshll.u32 s0, $0xA;
	s2 =	sadd.s32 s3, s2  }
0x8d: {  	s2 =	sadd.s32 s2, s17  }
0x8e: {  	[smem:$0x3FC5] =	sst s2  }
0x8f: {  	_ = 	snop  }
0x90: {  	s2 =	sld [smem:$0x3FC9]  }
0x91: {  	s18 =	sld [smem:$0x3FC8]  }
0x92: {  	s4 =	sld [smem:$0x3FD0];
	(tm) =	ssettm $0x1  }
0x93: {  	s5 =	sld [smem:$0x3FFB];
	_ =	sdelay $0x3  }
0x94: {  	_ =	strace s5  }
0x95: {  	s5 =	sld [smem:$0x3FFC];
	_ =	sdelay $0x3  }
0x96: {  	_ =	strace s5  }
0x97: {  	s5 =	sld [smem:$0x3FFD];
	_ =	sdelay $0x3  }
0x98: {  	_ =	strace s5  }
0x99: {  	_ =	strace $0x8FFFFFFF  }
0x9a: {  	s19 =	sld [smem:$0x3FDB];
	_ =	sdelay $0x1  }
0x9b: {  	s6 =	simm.s32 $_scs_section_size  }
0x9c: {  	s7 =	simm.s32 $_size__tile_overlayer_lowered;
	s8 =	simm.s32 $_tile_overlayer_lowered  }
0x9d: {  	s22 =	simm.s32 $0x1BFF;
	s21 =	sshll.u32 s8, $0x1;
	s5 =	sadd.s32 s6, s19  }
0x9e: {  	s9 =	simm.s32 $0x0;
	s20 =	sshll.u32 s7, $0x1;
	s7 =	sadd.s32 s21, s5  }
0x9f: {  	[timem:s9], [sflag:s22] =	dma.local [hbm:s7], s20  }
0xa0: {  	_ =	swait.ge [sflag:s22], s20  }
0xa1: {  	s6 =	ssub.s32 $0x0, s20;
	[sflag:s22] =	ssyncset.done $0x0  }
0xa2: {  	[sflag:s22] =	ssyncadd.s32 s6;
	_ =	sdelay $0x1  }
0xa3: {  	s23 =	simm.s32 $0x1B8B  }
0xa4: {  	_ =	swait.ge [sflag:s23], $0x1  }
0xa5: {  	[sflag:s23] =	ssyncset.done $0x0  }
0xa6: {  	s25 =	simm.s32 $0x1B8E;
	s24 =	sld [smem:$0x3FFE];
	[sflag:s23] =	ssyncadd.s32 $0xFFFFFFFF  }
0xa7: {  	s26 =	simm.s32 $execute0_lowered;
	[smem:$0x3FD2] =	sst s25  }
0xa8: {  	s7 =	sshll.u32 s26, $0x1;
	_ =	strace $0x80000046;
	[dreg:$0x1] =	wrdreg $0xFFFFFFFF  }
0xa9: {  	s28 =	simm.s32 $_size_execute0_lowered;
	s5 =	sadd.s32 s5, s7;
	[dreg:$0x0] =	wrdreg $0x0  }
0xaa: {  	s7 =	sshll.u32 s28, $0x1;
	[dreg:$0x2] =	wrdreg s5  }
0xab: {  	[dreg:$0x3] =	wrdreg s7  }
0xac: {  	[dreg:$0x4] =	wrdreg $0xC0  }
0xad: {  	_ =	task [dreg:s9], $0x5FFFF  }
0xae: {  	[dreg:$0x1] =	wrdreg $0xFFFFFFFF  }
0xaf: {  	[dreg:$0x0] =	wrdreg $0x60  }
0xb0: {  	[dreg:$0x2] =	wrdreg s2  }
0xb1: {  	[dreg:$0x3] =	wrdreg s18  }
0xb2: {  	[dreg:$0x4] =	wrdreg s24  }
0xb3: {  	[dreg:$0x5] =	wrdreg s4  }
0xb4: {  	[dreg:$0x6] =	wrdreg $0x9  }
0xb5: {  	_ =	task.clear_ibuf [dreg:s9], $0x7FFFF;
	_ =	strace $0x90000046  }
0xb6: {  	s29 =	simm.s32 $0x9;
	_ =	strace $0x80000048  }
0xb7: {  	_ =	swait.ge [sflag:s29], $0x1  }
0xb8: {  	[sflag:s29] =	ssyncadd.s32 $0xFFFFFFFF  }
0xb9: {  	_ =	strace $0x90000048  }
0xba: {  	_ =	sfence  }
0xbb: {  	s30 =	sld [smem:$0x0];
	_ =	sdelay $0x2  }
0xbc: {  	s31 =	sshll.u32 s1, $0xD;
	s1 =	sshrl.u32 s1, $0x2  }
0xbd: {  	s3 =	sand.u32 $0x4000, s31;
	s1 =	sadd.s32 s1, s30  }
0xbe: {  	s0 =	sor.u32 s3, s0;
	s1 =	sshll.u32 s1, $0x11  }
0xbf: {  	s0 =	sor.u32 s1, s0  }
0xc0: {  	s0 =	sadd.s32 $0x8F2B, s0  }
0xc1: {  	[sflag:s0] =	ssyncadd.remote.s32 $0x1  }
0xc2: {  	_ =	sfence.sel $0xFFFF  }
0xc3: {  	[dreg:$0x0] =	wrdreg $0xFFFFFFFF;
	(pc) =	sbr.abs _section_cstart, $3  }
0xc4: {  	[dreg:$0x1] =	wrdreg $0xFFFFFFFF  }
0xc5: {  	_ =	task.clear_ibuf [dreg:s9], $0x2FFFF;
	_ =	strace $0x9FFFFFFF  }
0xc6: {  	(tm) =	ssettm $0x7FFFFFFF  }
0xc7: {  	_ =	shalt  }
tec
execute0_lowered:
.L_overlay_start_1:
0x0: {  	(tag) =	ssettag $0x1  }
0x1: {  	s1 =	rddreg [dreg:$0x0]  }
0x2: {  	s0 =	rddreg [dreg:$0x2]  }
0x3: {  	s3 =	rddreg [dreg:$0x3];
	s5 =	simm.s32 $0x0  }
0x4: {  	s2 =	srdreg.scid;
	s4 =	stileid.u32;
	s20 =	simm.s32 $0x200  }
0x5: {  	s21 =	simm.s32 $0x400;
	s28 =	simm.s32 $0x8880;
	s29 =	simm.s32 $0x2  }
0x6: {  	s30 =	simm.s32 $0x6;
	s31 =	simm.s32 $0xA880;
	s19 =	simm.s32 $0x8  }
0x7: {  	s10 =	simm.s32 $0x0;
	[smem:$0x7FF] =	sst s5;
	s2 =	sand.u32 $0x1, s2  }
0x8: {  	s4 =	sshll.u32 s4, $0xA;
	s0 =	sadd.s32 $0x400, s0;
	s9 =	sadd.s32 $0x40, s1  }
0x9: {  	s15 =	sadd.s32 $0x40, s3;
	_ =	strace $0x80000047;
	s6 =	sshll.u32 s2, $0x9  }
0xa: {  	[dreg:$0x5] =	wrdreg s0;
	s23 =	ssub.s32 $0x2, s2;
	s7 =	sor.u32 s6, s4  }
0xb: {  	s2 =	sshrl.u32 s23, $0x1;
	s4 =	simm.s32 $0xC880;
	s8 =	sshll.u32 s7, $0x8  }
0xc: {  	s0 =	ssub.s32 s23, s2;
	s14 =	sor.u32 $0x10, s7;
	s25 =	sadd.s32 s8, s9  }
0xd: {  	s16 =	sor.u32 $0x18, s7;
	s24 =	sadd.s32 s1, s8;
	[dreg:$0x7] =	wrdreg s25  }
0xe: {  	s23 =	simm.s32 $0xE880;
	s0 =	smax.u32 s0, $0x1;
	[dreg:$0x6] =	wrdreg s24  }
0xf: {  	s26 =	sadd.s32 $0x800, s24;
	s2 =	sadd.s32 $0x840, s24;
	[dreg:$0xa] =	wrdreg s0  }
0x10: {  	s24 =	simm.s32 $0x4880;
	s0 =	simm.s32 $0x3;
	[dreg:$0x8] =	wrdreg s26  }
0x11: {  	[dreg:$0x9] =	wrdreg s2;
	s26 =	simm.s32 $0x1;
	s2 =	simm.s32 $0x4  }
.LBB2_1:
0x12: {  	[dreg:$0xb] =	wrdreg s10  }
0x13: {  	s6 =	rddreg [dreg:$0x1];
	s22 =	simm.s32 $0x9  }
0x14: {  	[tilespmem:s5], [sflag:$0x9] =	stream.linear.gather [hbm4b:s6+s5], $0x800, $0x38;
	[tilespmem:$0x10880] =	vst v63  }
0x15: {  	_ =	swait.ge [sflag:s22], $0x800  }
0x16: {  	[sflag:s22] =	ssyncset.done $0x0  }
0x17: {  	s11 =	simm.s32 $0x800;
	s25 =	rddreg [dreg:$0x5];
	[sflag:s22] =	ssyncadd.s32 $0xFFFFF800  }
0x18: {  	[tilespmem:s11], [sflag:$0x9] =	stream.linear.gather [hbm4b:s25+s5], $0x80, $0x38;
	[tilespmem:$0x10880] =	vst v63  }
0x19: {  	_ =	swait.ge [sflag:s22], $0x80  }
0x1a: {  	[sflag:s22] =	ssyncset.done $0x0  }
0x1b: {  	[sflag:s22] =	ssyncadd.s32 $0xFFFFFF80  }
0x1c: {  	v0 =	vld [tilespmem:$0x800]  }
0x1d: {  	v1 =	vld [tilespmem:s5+$0x0];
	_ =	sdelay $0x3  }
0x1e: {  	s6 =	simm.s32 $0x10  }
0x1f: {  	s10 =	simm.s32 $0x10;
	s11 =	simm.s32 $0x0;
	v2 =	vmul.f32 v1, v0;
	v1 =	vld [tilespmem:s6+$0x0]  }
.LBB2_2:
0x20: {  	s10 =	sadd.s32 $0x10, s10  }
0x21: {  	[tilespmem:s11+$0x0] =	vst v2;
	s11 =	smov.u32 s6;
	p0 =	slt.u32 s10, $0x7F0  }
.Ltmp0:
0x22: {  	(pc) =	sbr.rel @p0 .LBB2_2-.Ltmp0, $3  }
0x23: {  	_ =	sdelay $0x1  }
0x24: {  	s6 =	sadd.s32 $0x10, s6;
	v2 =	vmul.f32 v1, v0  }
0x25: {  	v1 =	vld [tilespmem:s6+$0x0]  }
0x26: {  	_ =	sdelay $0x3  }
0x27: {  	v0 =	vmul.f32 v1, v0  }
0x28: {  	[tilespmem:s11+$0x0] =	vst v2  }
0x29: {  	[tilespmem:s6+$0x0] =	vst v0  }
0x2a: {  	s10 =	simm.s32 $0x880;
	s6 =	rddreg [dreg:$0x6]  }
0x2b: {  	[tilespmem:s10], [sflag:$0x1] =	stream.strided.gather [hbm4b:s6+s20], $0x2000, s21, s20, $0x38;
	[tilespmem:$0x10880] =	vst v63  }
0x2c: {  	s17 =	simm.s32 $0x2880;
	s13 =	rddreg [dreg:$0x7]  }
0x2d: {  	[tilespmem:s17], [sflag:$0x2] =	stream.strided.gather [hbm4b:s13+s20], $0x2000, s21, s20, $0x38;
	[tilespmem:$0x10880] =	vst v63  }
0x2e: {  	s18 =	rddreg [dreg:$0x8]  }
0x2f: {  	[tilespmem:s24], [sflag:$0x3] =	stream.strided.gather [hbm4b:s18+s20], $0x2000, s21, s20, $0x38;
	[tilespmem:$0x10880] =	vst v63  }
0x30: {  	s25 =	simm.s32 $0x6880;
	s22 =	rddreg [dreg:$0x9];
	s13 =	simm.s32 $0x0  }
0x31: {  	[tilespmem:s25], [sflag:$0x4] =	stream.strided.gather [hbm4b:s22+s20], $0x2000, s21, s20, $0x38;
	[tilespmem:$0x10880] =	vst v63  }
.LBB2_4:
0x32: {  	_ =	swait.ge [sflag:s26], $0x2000  }
0x33: {  	p0 =	seq.s32 s13, $0x0;
	[sflag:s26] =	ssyncset.done $0x0  }
0x34: {  	s6 =	simm.s32 @!p0 $0x5;
	[sflag:s26] =	ssyncadd.s32 $0xFFFFE000  }
0x35: {  	_ =	swait.ge @!p0 [sflag:s6], $0x2000  }
0x36: {  	[sflag:s6] =	ssyncset.done @!p0 $0x0  }
0x37: {  	s25 =	simm.s32 $0xA80;
	[sflag:s6] =	ssyncadd.s32 @!p0 $0xFFFFE000  }
0x38: {  	v0 =	vld [tilespmem:s25+$0x70]  }
0x39: {  	v1 =	vld [tilespmem:s25+$0xFFFFFE10]  }
0x3a: {  	v2 =	vld [tilespmem:s25+$0xFFFFFE20]  }
0x3b: {  	v3 =	vld [tilespmem:s25+$0xFFFFFE30]  }
0x3c: {  	v4 =	vld [tilespmem:s25+$0xFFFFFE40]  }
0x3d: {  	v5 =	vld [tilespmem:s25+$0xFFFFFE50]  }
0x3e: {  	v6 =	vld [tilespmem:s25+$0xFFFFFE60]  }
0x3f: {  	v7 =	vld [tilespmem:s25+$0xFFFFFE70]  }
0x40: {  	v8 =	vld [tilespmem:s25+$0x0]  }
0x41: {  	v9 =	vld [tilespmem:s25+$0x10]  }
0x42: {  	v10 =	vld [tilespmem:s25+$0x20]  }
0x43: {  	v11 =	vld [tilespmem:s25+$0x30]  }
0x44: {  	v12 =	vld [tilespmem:s25+$0x40]  }
0x45: {  	v13 =	vld [tilespmem:s25+$0x50]  }
0x46: {  	v14 =	vld [tilespmem:s25+$0x60]  }
0x47: {  	v15 =	vld [tilespmem:s25+$0xFFFFFE00]  }
0x48: {  	v0 =	vld.idx.msk [tilespmem:v0+s5+$0x0], $0xffff  }
0x49: {  	v1 =	vld.idx.msk [tilespmem:v1+s5+$0x0], $0xffff  }
0x4a: {  	v2 =	vld.idx.msk [tilespmem:v2+s5+$0x0], $0xffff  }
0x4b: {  	v3 =	vld.idx.msk [tilespmem:v3+s5+$0x0], $0xffff  }
0x4c: {  	v4 =	vld.idx.msk [tilespmem:v4+s5+$0x0], $0xffff  }
0x4d: {  	s6 =	simm.s32 $0x8A80;
	v5 =	vld.idx.msk [tilespmem:v5+s5+$0x0], $0xffff  }
0x4e: {  	v6 =	vld.idx.msk [tilespmem:v6+s5+$0x0], $0xffff;
	[tilespmem:s6+$0x70] =	vst v0  }
0x4f: {  	v7 =	vld.idx.msk [tilespmem:v7+s5+$0x0], $0xffff;
	[tilespmem:s6+$0xFFFFFE10] =	vst v1  }
0x50: {  	v15 =	vld.idx.msk [tilespmem:v15+s5+$0x0], $0xffff;
	[tilespmem:s6+$0xFFFFFE20] =	vst v2  }
0x51: {  	v8 =	vld.idx.msk [tilespmem:v8+s5+$0x0], $0xffff;
	[tilespmem:s6+$0xFFFFFE30] =	vst v3  }
0x52: {  	[tilespmem:s6+$0xFFFFFE40] =	vst v4;
	v0 =	vld.idx.msk [tilespmem:v9+s5+$0x0], $0xffff  }
0x53: {  	[tilespmem:s6+$0xFFFFFE50] =	vst v5;
	v1 =	vld.idx.msk [tilespmem:v10+s5+$0x0], $0xffff  }
0x54: {  	[tilespmem:s6+$0xFFFFFE60] =	vst v6;
	v2 =	vld.idx.msk [tilespmem:v11+s5+$0x0], $0xffff  }
0x55: {  	s10 =	sshll.u32 s13, $0xC;
	[tilespmem:s6+$0xFFFFFE70] =	vst v7;
	v3 =	vld.idx.msk [tilespmem:v12+s5+$0x0], $0xffff  }
0x56: {  	s12 =	sshll.u32 s13, $0x4;
	s18 =	simm.s32 $0x0;
	s17 =	simm.s32 $0x8B00;
	[tilespmem:s6+$0xFFFFFE00] =	vst v15;
	v4 =	vld.idx.msk [tilespmem:v13+s5+$0x0], $0xffff  }
0x57: {  	s11 =	simm.s32 $0xE80;
	s10 =	sadd.s32 s8, s10;
	s25 =	simm.s32 $0xB00;
	[tilespmem:s6+$0x0] =	vst v8;
	v5 =	vld.idx.msk [tilespmem:v14+s5+$0x0], $0xffff  }
.LBB2_5:
0x58: {  	v6 =	vld [tilespmem:s11+$0x70];
	s18 =	sadd.s32 $0x100, s18;
	[tilespmem:s6+$0x10] =	vst v0  }
0x59: {  	v0 =	vld [tilespmem:s11+$0xFFFFFE10];
	p1 =	slt.u32 s18, $0x700;
	[tilespmem:s6+$0x20] =	vst v1  }
0x5a: {  	v1 =	vld [tilespmem:s11+$0xFFFFFE20];
	[tilespmem:s6+$0x30] =	vst v2  }
0x5b: {  	v2 =	vld [tilespmem:s11+$0xFFFFFE30];
	[tilespmem:s6+$0x40] =	vst v3  }
0x5c: {  	v3 =	vld [tilespmem:s11+$0xFFFFFE40];
	[tilespmem:s6+$0x50] =	vst v4  }
0x5d: {  	v4 =	vld [tilespmem:s11+$0xFFFFFE50];
	[tilespmem:s6+$0x60] =	vst v5  }
0x5e: {  	v5 =	vld [tilespmem:s11+$0xFFFFFE60]  }
0x5f: {  	v7 =	vld [tilespmem:s11+$0xFFFFFE70]  }
0x60: {  	v6 =	vld.idx.msk [tilespmem:v6+s5+$0x0], $0xffff  }
0x61: {  	v8 =	vld [tilespmem:s11+$0x0]  }
0x62: {  	v9 =	vld [tilespmem:s11+$0x10]  }
0x63: {  	v10 =	vld [tilespmem:s11+$0x20]  }
0x64: {  	v11 =	vld [tilespmem:s11+$0x30]  }
0x65: {  	s6 =	sadd.s32 $0x400, s6;
	v12 =	vld [tilespmem:s11+$0x40]  }
0x66: {  	v13 =	vld [tilespmem:s11+$0x50];
	[tilespmem:s6+$0x70] =	vst v6  }
0x67: {  	v6 =	vld [tilespmem:s11+$0x60]  }
0x68: {  	v14 =	vld [tilespmem:s11+$0xFFFFFE00]  }
0x69: {  	v0 =	vld.idx.msk [tilespmem:v0+s5+$0x0], $0xffff  }
0x6a: {  	v1 =	vld.idx.msk [tilespmem:v1+s5+$0x0], $0xffff  }
0x6b: {  	v2 =	vld.idx.msk [tilespmem:v2+s5+$0x0], $0xffff  }
0x6c: {  	v3 =	vld.idx.msk [tilespmem:v3+s5+$0x0], $0xffff  }
0x6d: {  	v4 =	vld.idx.msk [tilespmem:v4+s5+$0x0], $0xffff  }
0x6e: {  	v5 =	vld.idx.msk [tilespmem:v5+s5+$0x0], $0xffff  }
0x6f: {  	[tilespmem:s6+$0xFFFFFE10] =	vst v0;
	v7 =	vld.idx.msk [tilespmem:v7+s5+$0x0], $0xffff  }
0x70: {  	v14 =	vld.idx.msk [tilespmem:v14+s5+$0x0], $0xffff;
	[tilespmem:s6+$0xFFFFFE20] =	vst v1  }
0x71: {  	[tilespmem:s6+$0xFFFFFE30] =	vst v2;
	v8 =	vld.idx.msk [tilespmem:v8+s5+$0x0], $0xffff  }
0x72: {  	[tilespmem:s6+$0xFFFFFE40] =	vst v3;
	v0 =	vld.idx.msk [tilespmem:v9+s5+$0x0], $0xffff  }
.Ltmp1:
0x73: {  	[tilespmem:s6+$0xFFFFFE50] =	vst v4;
	v1 =	vld.idx.msk [tilespmem:v10+s5+$0x0], $0xffff;
	(pc) =	sbr.rel @p1 .LBB2_5-.Ltmp1, $4  }
0x74: {  	[tilespmem:s6+$0xFFFFFE60] =	vst v5;
	v2 =	vld.idx.msk [tilespmem:v11+s5+$0x0], $0xffff  }
0x75: {  	[tilespmem:s6+$0xFFFFFE70] =	vst v7;
	v3 =	vld.idx.msk [tilespmem:v12+s5+$0x0], $0xffff  }
0x76: {  	[tilespmem:s6+$0xFFFFFE00] =	vst v14;
	v4 =	vld.idx.msk [tilespmem:v13+s5+$0x0], $0xffff  }
0x77: {  	s11 =	sadd.s32 $0x400, s11;
	[tilespmem:s6+$0x0] =	vst v8;
	v5 =	vld.idx.msk [tilespmem:v6+s5+$0x0], $0xffff  }
0x78: {  	[tilespmem:s6+$0x10] =	vst v0  }
0x79: {  	[tilespmem:s6+$0x20] =	vst v1  }
0x7a: {  	[tilespmem:s6+$0x30] =	vst v2  }
0x7b: {  	[tilespmem:s6+$0x40] =	vst v3  }
0x7c: {  	[tilespmem:s6+$0x50] =	vst v4  }
0x7d: {  	[tilespmem:s6+$0x60] =	vst v5  }
0x7e: {  	v0 =	vld [tilespmem:s25+$0x70]  }
0x7f: {  	v1 =	vld [tilespmem:s25+$0xFFFFFE10]  }
0x80: {  	v2 =	vld [tilespmem:s25+$0xFFFFFE20]  }
0x81: {  	v3 =	vld [tilespmem:s25+$0xFFFFFE30]  }
0x82: {  	v4 =	vld [tilespmem:s25+$0xFFFFFE40]  }
0x83: {  	v5 =	vld [tilespmem:s25+$0xFFFFFE50]  }
0x84: {  	v6 =	vld [tilespmem:s25+$0xFFFFFE60]  }
0x85: {  	v7 =	vld [tilespmem:s25+$0xFFFFFE70]  }
0x86: {  	v8 =	vld [tilespmem:s25+$0x0]  }
0x87: {  	v9 =	vld [tilespmem:s25+$0x10]  }
0x88: {  	v10 =	vld [tilespmem:s25+$0x20]  }
0x89: {  	v11 =	vld [tilespmem:s25+$0x30]  }
0x8a: {  	v12 =	vld [tilespmem:s25+$0x40]  }
0x8b: {  	v13 =	vld [tilespmem:s25+$0x50]  }
0x8c: {  	v14 =	vld [tilespmem:s25+$0x60]  }
0x8d: {  	v15 =	vld [tilespmem:s25+$0xFFFFFE00]  }
0x8e: {  	v0 =	vld.idx.msk [tilespmem:v0+s5+$0x0], $0xffff  }
0x8f: {  	v1 =	vld.idx.msk [tilespmem:v1+s5+$0x0], $0xffff  }
0x90: {  	v2 =	vld.idx.msk [tilespmem:v2+s5+$0x0], $0xffff  }
0x91: {  	v3 =	vld.idx.msk [tilespmem:v3+s5+$0x0], $0xffff  }
0x92: {  	v4 =	vld.idx.msk [tilespmem:v4+s5+$0x0], $0xffff  }
0x93: {  	v5 =	vld.idx.msk [tilespmem:v5+s5+$0x0], $0xffff  }
0x94: {  	v6 =	vld.idx.msk [tilespmem:v6+s5+$0x0], $0xffff;
	[tilespmem:s17+$0x70] =	vst v0  }
0x95: {  	v7 =	vld.idx.msk [tilespmem:v7+s5+$0x0], $0xffff;
	[tilespmem:s17+$0xFFFFFE10] =	vst v1  }
0x96: {  	v15 =	vld.idx.msk [tilespmem:v15+s5+$0x0], $0xffff;
	[tilespmem:s17+$0xFFFFFE20] =	vst v2  }
0x97: {  	v8 =	vld.idx.msk [tilespmem:v8+s5+$0x0], $0xffff;
	[tilespmem:s17+$0xFFFFFE30] =	vst v3  }
0x98: {  	[tilespmem:s17+$0xFFFFFE40] =	vst v4;
	v0 =	vld.idx.msk [tilespmem:v9+s5+$0x0], $0xffff  }
0x99: {  	[tilespmem:s17+$0xFFFFFE50] =	vst v5;
	v1 =	vld.idx.msk [tilespmem:v10+s5+$0x0], $0xffff  }
0x9a: {  	[tilespmem:s17+$0xFFFFFE60] =	vst v6;
	v2 =	vld.idx.msk [tilespmem:v11+s5+$0x0], $0xffff  }
0x9b: {  	[tilespmem:s17+$0xFFFFFE70] =	vst v7;
	v3 =	vld.idx.msk [tilespmem:v12+s5+$0x0], $0xffff  }
0x9c: {  	s18 =	simm.s32 $0x0;
	[tilespmem:s17+$0xFFFFFE00] =	vst v15;
	v4 =	vld.idx.msk [tilespmem:v13+s5+$0x0], $0xffff  }
0x9d: {  	s11 =	simm.s32 $0xF00;
	s6 =	simm.s32 $0xB80;
	s25 =	simm.s32 $0x8B80;
	[tilespmem:s17+$0x0] =	vst v8;
	v5 =	vld.idx.msk [tilespmem:v14+s5+$0x0], $0xffff  }
.LBB2_7:
0x9e: {  	v6 =	vld [tilespmem:s11+$0x70];
	s18 =	sadd.s32 $0x100, s18;
	[tilespmem:s17+$0x10] =	vst v0  }
0x9f: {  	v0 =	vld [tilespmem:s11+$0xFFFFFE10];
	p1 =	slt.u32 s18, $0x700;
	[tilespmem:s17+$0x20] =	vst v1  }
0xa0: {  	v1 =	vld [tilespmem:s11+$0xFFFFFE20];
	[tilespmem:s17+$0x30] =	vst v2  }
0xa1: {  	v2 =	vld [tilespmem:s11+$0xFFFFFE30];
	[tilespmem:s17+$0x40] =	vst v3  }
0xa2: {  	v3 =	vld [tilespmem:s11+$0xFFFFFE40];
	[tilespmem:s17+$0x50] =	vst v4  }
0xa3: {  	v4 =	vld [tilespmem:s11+$0xFFFFFE50];
	[tilespmem:s17+$0x60] =	vst v5  }
0xa4: {  	v5 =	vld [tilespmem:s11+$0xFFFFFE60]  }
0xa5: {  	v7 =	vld [tilespmem:s11+$0xFFFFFE70]  }
0xa6: {  	v6 =	vld.idx.msk [tilespmem:v6+s5+$0x0], $0xffff  }
0xa7: {  	v8 =	vld [tilespmem:s11+$0x0]  }
0xa8: {  	v9 =	vld [tilespmem:s11+$0x10]  }
0xa9: {  	v10 =	vld [tilespmem:s11+$0x20]  }
0xaa: {  	v11 =	vld [tilespmem:s11+$0x30]  }
0xab: {  	s17 =	sadd.s32 $0x400, s17;
	v12 =	vld [tilespmem:s11+$0x40]  }
0xac: {  	v13 =	vld [tilespmem:s11+$0x50];
	[tilespmem:s17+$0x70] =	vst v6  }
0xad: {  	v6 =	vld [tilespmem:s11+$0x60]  }
0xae: {  	v14 =	vld [tilespmem:s11+$0xFFFFFE00]  }
0xaf: {  	v0 =	vld.idx.msk [tilespmem:v0+s5+$0x0], $0xffff  }
0xb0: {  	v1 =	vld.idx.msk [tilespmem:v1+s5+$0x0], $0xffff  }
0xb1: {  	v2 =	vld.idx.msk [tilespmem:v2+s5+$0x0], $0xffff  }
0xb2: {  	v3 =	vld.idx.msk [tilespmem:v3+s5+$0x0], $0xffff  }
0xb3: {  	v4 =	vld.idx.msk [tilespmem:v4+s5+$0x0], $0xffff  }
0xb4: {  	v5 =	vld.idx.msk [tilespmem:v5+s5+$0x0], $0xffff  }
0xb5: {  	[tilespmem:s17+$0xFFFFFE10] =	vst v0;
	v7 =	vld.idx.msk [tilespmem:v7+s5+$0x0], $0xffff  }
0xb6: {  	v14 =	vld.idx.msk [tilespmem:v14+s5+$0x0], $0xffff;
	[tilespmem:s17+$0xFFFFFE20] =	vst v1  }
0xb7: {  	[tilespmem:s17+$0xFFFFFE30] =	vst v2;
	v8 =	vld.idx.msk [tilespmem:v8+s5+$0x0], $0xffff  }
0xb8: {  	[tilespmem:s17+$0xFFFFFE40] =	vst v3;
	v0 =	vld.idx.msk [tilespmem:v9+s5+$0x0], $0xffff  }
.Ltmp2:
0xb9: {  	[tilespmem:s17+$0xFFFFFE50] =	vst v4;
	v1 =	vld.idx.msk [tilespmem:v10+s5+$0x0], $0xffff;
	(pc) =	sbr.rel @p1 .LBB2_7-.Ltmp2, $4  }
0xba: {  	[tilespmem:s17+$0xFFFFFE60] =	vst v5;
	v2 =	vld.idx.msk [tilespmem:v11+s5+$0x0], $0xffff  }
0xbb: {  	[tilespmem:s17+$0xFFFFFE70] =	vst v7;
	v3 =	vld.idx.msk [tilespmem:v12+s5+$0x0], $0xffff  }
0xbc: {  	[tilespmem:s17+$0xFFFFFE00] =	vst v14;
	v4 =	vld.idx.msk [tilespmem:v13+s5+$0x0], $0xffff  }
0xbd: {  	s11 =	sadd.s32 $0x400, s11;
	[tilespmem:s17+$0x0] =	vst v8;
	v5 =	vld.idx.msk [tilespmem:v6+s5+$0x0], $0xffff  }
0xbe: {  	[tilespmem:s17+$0x10] =	vst v0  }
0xbf: {  	[tilespmem:s17+$0x20] =	vst v1  }
0xc0: {  	[tilespmem:s17+$0x30] =	vst v2  }
0xc1: {  	[tilespmem:s17+$0x40] =	vst v3  }
0xc2: {  	[tilespmem:s17+$0x50] =	vst v4  }
0xc3: {  	[tilespmem:s17+$0x60] =	vst v5  }
0xc4: {  	v0 =	vld [tilespmem:s6+$0x70]  }
0xc5: {  	v1 =	vld [tilespmem:s6+$0xFFFFFE10]  }
0xc6: {  	v2 =	vld [tilespmem:s6+$0xFFFFFE20]  }
0xc7: {  	v3 =	vld [tilespmem:s6+$0xFFFFFE30]  }
0xc8: {  	v4 =	vld [tilespmem:s6+$0xFFFFFE40]  }
0xc9: {  	v5 =	vld [tilespmem:s6+$0xFFFFFE50]  }
0xca: {  	v6 =	vld [tilespmem:s6+$0xFFFFFE60]  }
0xcb: {  	v7 =	vld [tilespmem:s6+$0xFFFFFE70]  }
0xcc: {  	v8 =	vld [tilespmem:s6+$0x0]  }
0xcd: {  	v9 =	vld [tilespmem:s6+$0x10]  }
0xce: {  	v10 =	vld [tilespmem:s6+$0x20]  }
0xcf: {  	v11 =	vld [tilespmem:s6+$0x30]  }
0xd0: {  	v12 =	vld [tilespmem:s6+$0x40]  }
0xd1: {  	v13 =	vld [tilespmem:s6+$0x50]  }
0xd2: {  	v14 =	vld [tilespmem:s6+$0x60]  }
0xd3: {  	v15 =	vld [tilespmem:s6+$0xFFFFFE00]  }
0xd4: {  	v0 =	vld.idx.msk [tilespmem:v0+s5+$0x0], $0xffff  }
0xd5: {  	v1 =	vld.idx.msk [tilespmem:v1+s5+$0x0], $0xffff  }
0xd6: {  	v2 =	vld.idx.msk [tilespmem:v2+s5+$0x0], $0xffff  }
0xd7: {  	v3 =	vld.idx.msk [tilespmem:v3+s5+$0x0], $0xffff  }
0xd8: {  	v4 =	vld.idx.msk [tilespmem:v4+s5+$0x0], $0xffff  }
0xd9: {  	v5 =	vld.idx.msk [tilespmem:v5+s5+$0x0], $0xffff  }
0xda: {  	v6 =	vld.idx.msk [tilespmem:v6+s5+$0x0], $0xffff;
	[tilespmem:s25+$0x70] =	vst v0  }
0xdb: {  	v7 =	vld.idx.msk [tilespmem:v7+s5+$0x0], $0xffff;
	[tilespmem:s25+$0xFFFFFE10] =	vst v1  }
0xdc: {  	v15 =	vld.idx.msk [tilespmem:v15+s5+$0x0], $0xffff;
	[tilespmem:s25+$0xFFFFFE20] =	vst v2  }
0xdd: {  	v8 =	vld.idx.msk [tilespmem:v8+s5+$0x0], $0xffff;
	[tilespmem:s25+$0xFFFFFE30] =	vst v3  }
0xde: {  	[tilespmem:s25+$0xFFFFFE40] =	vst v4;
	v0 =	vld.idx.msk [tilespmem:v9+s5+$0x0], $0xffff  }
0xdf: {  	[tilespmem:s25+$0xFFFFFE50] =	vst v5;
	v1 =	vld.idx.msk [tilespmem:v10+s5+$0x0], $0xffff  }
0xe0: {  	[tilespmem:s25+$0xFFFFFE60] =	vst v6;
	v2 =	vld.idx.msk [tilespmem:v11+s5+$0x0], $0xffff  }
0xe1: {  	[tilespmem:s25+$0xFFFFFE70] =	vst v7;
	v3 =	vld.idx.msk [tilespmem:v12+s5+$0x0], $0xffff  }
0xe2: {  	s18 =	simm.s32 $0x0;
	[tilespmem:s25+$0xFFFFFE00] =	vst v15;
	v4 =	vld.idx.msk [tilespmem:v13+s5+$0x0], $0xffff  }
0xe3: {  	s11 =	simm.s32 $0xF80;
	s17 =	simm.s32 $0xC00;
	s6 =	simm.s32 $0x8C00;
	[tilespmem:s25+$0x0] =	vst v8;
	v5 =	vld.idx.msk [tilespmem:v14+s5+$0x0], $0xffff  }
.LBB2_9:
0xe4: {  	v6 =	vld [tilespmem:s11+$0x70];
	s18 =	sadd.s32 $0x100, s18;
	[tilespmem:s25+$0x10] =	vst v0  }
0xe5: {  	v0 =	vld [tilespmem:s11+$0xFFFFFE10];
	p1 =	slt.u32 s18, $0x700;
	[tilespmem:s25+$0x20] =	vst v1  }
0xe6: {  	v1 =	vld [tilespmem:s11+$0xFFFFFE20];
	[tilespmem:s25+$0x30] =	vst v2  }
0xe7: {  	v2 =	vld [tilespmem:s11+$0xFFFFFE30];
	[tilespmem:s25+$0x40] =	vst v3  }
0xe8: {  	v3 =	vld [tilespmem:s11+$0xFFFFFE40];
	[tilespmem:s25+$0x50] =	vst v4  }
0xe9: {  	v4 =	vld [tilespmem:s11+$0xFFFFFE50];
	[tilespmem:s25+$0x60] =	vst v5  }
0xea: {  	v5 =	vld [tilespmem:s11+$0xFFFFFE60]  }
0xeb: {  	v7 =	vld [tilespmem:s11+$0xFFFFFE70]  }
0xec: {  	v6 =	vld.idx.msk [tilespmem:v6+s5+$0x0], $0xffff  }
0xed: {  	v8 =	vld [tilespmem:s11+$0x0]  }
0xee: {  	v9 =	vld [tilespmem:s11+$0x10]  }
0xef: {  	v10 =	vld [tilespmem:s11+$0x20]  }
0xf0: {  	v11 =	vld [tilespmem:s11+$0x30]  }
0xf1: {  	s25 =	sadd.s32 $0x400, s25;
	v12 =	vld [tilespmem:s11+$0x40]  }
0xf2: {  	v13 =	vld [tilespmem:s11+$0x50];
	[tilespmem:s25+$0x70] =	vst v6  }
0xf3: {  	v6 =	vld [tilespmem:s11+$0x60]  }
0xf4: {  	v14 =	vld [tilespmem:s11+$0xFFFFFE00]  }
0xf5: {  	v0 =	vld.idx.msk [tilespmem:v0+s5+$0x0], $0xffff  }
0xf6: {  	v1 =	vld.idx.msk [tilespmem:v1+s5+$0x0], $0xffff  }
0xf7: {  	v2 =	vld.idx.msk [tilespmem:v2+s5+$0x0], $0xffff  }
0xf8: {  	v3 =	vld.idx.msk [tilespmem:v3+s5+$0x0], $0xffff  }
0xf9: {  	v4 =	vld.idx.msk [tilespmem:v4+s5+$0x0], $0xffff  }
0xfa: {  	v5 =	vld.idx.msk [tilespmem:v5+s5+$0x0], $0xffff  }
0xfb: {  	[tilespmem:s25+$0xFFFFFE10] =	vst v0;
	v7 =	vld.idx.msk [tilespmem:v7+s5+$0x0], $0xffff  }
0xfc: {  	v14 =	vld.idx.msk [tilespmem:v14+s5+$0x0], $0xffff;
	[tilespmem:s25+$0xFFFFFE20] =	vst v1  }
0xfd: {  	[tilespmem:s25+$0xFFFFFE30] =	vst v2;
	v8 =	vld.idx.msk [tilespmem:v8+s5+$0x0], $0xffff  }
0xfe: {  	[tilespmem:s25+$0xFFFFFE40] =	vst v3;
	v0 =	vld.idx.msk [tilespmem:v9+s5+$0x0], $0xffff  }
.Ltmp3:
0xff: {  	[tilespmem:s25+$0xFFFFFE50] =	vst v4;
	v1 =	vld.idx.msk [tilespmem:v10+s5+$0x0], $0xffff;
	(pc) =	sbr.rel @p1 .LBB2_9-.Ltmp3, $4  }
0x100: {  	[tilespmem:s25+$0xFFFFFE60] =	vst v5;
	v2 =	vld.idx.msk [tilespmem:v11+s5+$0x0], $0xffff  }
0x101: {  	[tilespmem:s25+$0xFFFFFE70] =	vst v7;
	v3 =	vld.idx.msk [tilespmem:v12+s5+$0x0], $0xffff  }
0x102: {  	[tilespmem:s25+$0xFFFFFE00] =	vst v14;
	v4 =	vld.idx.msk [tilespmem:v13+s5+$0x0], $0xffff  }
0x103: {  	s11 =	sadd.s32 $0x400, s11;
	[tilespmem:s25+$0x0] =	vst v8;
	v5 =	vld.idx.msk [tilespmem:v6+s5+$0x0], $0xffff  }
0x104: {  	[tilespmem:s25+$0x10] =	vst v0  }
0x105: {  	[tilespmem:s25+$0x20] =	vst v1  }
0x106: {  	[tilespmem:s25+$0x30] =	vst v2  }
0x107: {  	[tilespmem:s25+$0x40] =	vst v3  }
0x108: {  	[tilespmem:s25+$0x50] =	vst v4  }
0x109: {  	[tilespmem:s25+$0x60] =	vst v5  }
0x10a: {  	v0 =	vld [tilespmem:s17+$0x70]  }
0x10b: {  	v1 =	vld [tilespmem:s17+$0xFFFFFE10]  }
0x10c: {  	v2 =	vld [tilespmem:s17+$0xFFFFFE20]  }
0x10d: {  	v3 =	vld [tilespmem:s17+$0xFFFFFE30]  }
0x10e: {  	v4 =	vld [tilespmem:s17+$0xFFFFFE40]  }
0x10f: {  	v5 =	vld [tilespmem:s17+$0xFFFFFE50]  }
0x110: {  	v6 =	vld [tilespmem:s17+$0xFFFFFE60]  }
0x111: {  	v7 =	vld [tilespmem:s17+$0xFFFFFE70]  }
0x112: {  	v8 =	vld [tilespmem:s17+$0x0]  }
0x113: {  	v9 =	vld [tilespmem:s17+$0x10]  }
0x114: {  	v10 =	vld [tilespmem:s17+$0x20]  }
0x115: {  	v11 =	vld [tilespmem:s17+$0x30]  }
0x116: {  	v12 =	vld [tilespmem:s17+$0x40]  }
0x117: {  	v13 =	vld [tilespmem:s17+$0x50]  }
0x118: {  	v14 =	vld [tilespmem:s17+$0x60]  }
0x119: {  	v15 =	vld [tilespmem:s17+$0xFFFFFE00]  }
0x11a: {  	v0 =	vld.idx.msk [tilespmem:v0+s5+$0x0], $0xffff  }
0x11b: {  	v1 =	vld.idx.msk [tilespmem:v1+s5+$0x0], $0xffff  }
0x11c: {  	v2 =	vld.idx.msk [tilespmem:v2+s5+$0x0], $0xffff  }
0x11d: {  	v3 =	vld.idx.msk [tilespmem:v3+s5+$0x0], $0xffff  }
0x11e: {  	v4 =	vld.idx.msk [tilespmem:v4+s5+$0x0], $0xffff  }
0x11f: {  	v5 =	vld.idx.msk [tilespmem:v5+s5+$0x0], $0xffff  }
0x120: {  	v6 =	vld.idx.msk [tilespmem:v6+s5+$0x0], $0xffff;
	[tilespmem:s6+$0x70] =	vst v0  }
0x121: {  	v7 =	vld.idx.msk [tilespmem:v7+s5+$0x0], $0xffff;
	[tilespmem:s6+$0xFFFFFE10] =	vst v1  }
0x122: {  	v15 =	vld.idx.msk [tilespmem:v15+s5+$0x0], $0xffff;
	[tilespmem:s6+$0xFFFFFE20] =	vst v2  }
0x123: {  	v8 =	vld.idx.msk [tilespmem:v8+s5+$0x0], $0xffff;
	[tilespmem:s6+$0xFFFFFE30] =	vst v3  }
0x124: {  	[tilespmem:s6+$0xFFFFFE40] =	vst v4;
	v0 =	vld.idx.msk [tilespmem:v9+s5+$0x0], $0xffff  }
0x125: {  	[tilespmem:s6+$0xFFFFFE50] =	vst v5;
	v1 =	vld.idx.msk [tilespmem:v10+s5+$0x0], $0xffff  }
0x126: {  	[tilespmem:s6+$0xFFFFFE60] =	vst v6;
	v2 =	vld.idx.msk [tilespmem:v11+s5+$0x0], $0xffff  }
0x127: {  	[tilespmem:s6+$0xFFFFFE70] =	vst v7;
	v3 =	vld.idx.msk [tilespmem:v12+s5+$0x0], $0xffff  }
0x128: {  	[tilespmem:s6+$0xFFFFFE00] =	vst v15;
	v4 =	vld.idx.msk [tilespmem:v13+s5+$0x0], $0xffff  }
0x129: {  	s11 =	simm.s32 $0x0;
	s17 =	simm.s32 $0x1000;
	[tilespmem:s6+$0x0] =	vst v8;
	v5 =	vld.idx.msk [tilespmem:v14+s5+$0x0], $0xffff  }
.LBB2_11:
0x12a: {  	v6 =	vld [tilespmem:s17+$0x70];
	s11 =	sadd.s32 $0x100, s11;
	[tilespmem:s6+$0x10] =	vst v0  }
0x12b: {  	v0 =	vld [tilespmem:s17+$0xFFFFFE10];
	p1 =	slt.u32 s11, $0x700;
	[tilespmem:s6+$0x20] =	vst v1  }
0x12c: {  	v1 =	vld [tilespmem:s17+$0xFFFFFE20];
	[tilespmem:s6+$0x30] =	vst v2  }
0x12d: {  	v2 =	vld [tilespmem:s17+$0xFFFFFE30];
	[tilespmem:s6+$0x40] =	vst v3  }
0x12e: {  	v3 =	vld [tilespmem:s17+$0xFFFFFE40];
	[tilespmem:s6+$0x50] =	vst v4  }
0x12f: {  	v4 =	vld [tilespmem:s17+$0xFFFFFE50];
	[tilespmem:s6+$0x60] =	vst v5  }
0x130: {  	v5 =	vld [tilespmem:s17+$0xFFFFFE60]  }
0x131: {  	v7 =	vld [tilespmem:s17+$0xFFFFFE70]  }
0x132: {  	v6 =	vld.idx.msk [tilespmem:v6+s5+$0x0], $0xffff  }
0x133: {  	v8 =	vld [tilespmem:s17+$0x0]  }
0x134: {  	v9 =	vld [tilespmem:s17+$0x10]  }
0x135: {  	v10 =	vld [tilespmem:s17+$0x20]  }
0x136: {  	v11 =	vld [tilespmem:s17+$0x30]  }
0x137: {  	s6 =	sadd.s32 $0x400, s6;
	v12 =	vld [tilespmem:s17+$0x40]  }
0x138: {  	v13 =	vld [tilespmem:s17+$0x50];
	[tilespmem:s6+$0x70] =	vst v6  }
0x139: {  	v6 =	vld [tilespmem:s17+$0x60]  }
0x13a: {  	v14 =	vld [tilespmem:s17+$0xFFFFFE00]  }
0x13b: {  	v0 =	vld.idx.msk [tilespmem:v0+s5+$0x0], $0xffff  }
0x13c: {  	v1 =	vld.idx.msk [tilespmem:v1+s5+$0x0], $0xffff  }
0x13d: {  	v2 =	vld.idx.msk [tilespmem:v2+s5+$0x0], $0xffff  }
0x13e: {  	v3 =	vld.idx.msk [tilespmem:v3+s5+$0x0], $0xffff  }
0x13f: {  	v4 =	vld.idx.msk [tilespmem:v4+s5+$0x0], $0xffff  }
0x140: {  	v5 =	vld.idx.msk [tilespmem:v5+s5+$0x0], $0xffff  }
0x141: {  	[tilespmem:s6+$0xFFFFFE10] =	vst v0;
	v7 =	vld.idx.msk [tilespmem:v7+s5+$0x0], $0xffff  }
0x142: {  	v14 =	vld.idx.msk [tilespmem:v14+s5+$0x0], $0xffff;
	[tilespmem:s6+$0xFFFFFE20] =	vst v1  }
0x143: {  	[tilespmem:s6+$0xFFFFFE30] =	vst v2;
	v8 =	vld.idx.msk [tilespmem:v8+s5+$0x0], $0xffff  }
0x144: {  	[tilespmem:s6+$0xFFFFFE40] =	vst v3;
	v0 =	vld.idx.msk [tilespmem:v9+s5+$0x0], $0xffff  }
.Ltmp4:
0x145: {  	[tilespmem:s6+$0xFFFFFE50] =	vst v4;
	v1 =	vld.idx.msk [tilespmem:v10+s5+$0x0], $0xffff;
	(pc) =	sbr.rel @p1 .LBB2_11-.Ltmp4, $4  }
0x146: {  	[tilespmem:s6+$0xFFFFFE60] =	vst v5;
	v2 =	vld.idx.msk [tilespmem:v11+s5+$0x0], $0xffff  }
0x147: {  	[tilespmem:s6+$0xFFFFFE70] =	vst v7;
	v3 =	vld.idx.msk [tilespmem:v12+s5+$0x0], $0xffff  }
0x148: {  	[tilespmem:s6+$0xFFFFFE00] =	vst v14;
	v4 =	vld.idx.msk [tilespmem:v13+s5+$0x0], $0xffff  }
0x149: {  	s17 =	sadd.s32 $0x400, s17;
	[tilespmem:s6+$0x0] =	vst v8;
	v5 =	vld.idx.msk [tilespmem:v6+s5+$0x0], $0xffff  }
0x14a: {  	[tilespmem:s6+$0x10] =	vst v0  }
0x14b: {  	[tilespmem:s6+$0x20] =	vst v1;
	p2 =	sne.s32 s13, $0x1F  }
.Ltmp5:
0x14c: {  	[tilespmem:s6+$0x30] =	vst v2;
	(pc) =	sbr.rel @p2 .LBB2_14-.Ltmp5, $4  }
0x14d: {  	[tilespmem:s6+$0x40] =	vst v3  }
0x14e: {  	[tilespmem:s6+$0x50] =	vst v4  }
0x14f: {  	s25 =	sadd.s32 s3, s10;
	[tilespmem:s6+$0x60] =	vst v5  }
0x150: {  	[hbm4b:s25+s20] =	stream.strided.scatter [tilespmem:s28], [sflag:$0x5], $0x2000, s21, s20, $0x38;
	[tilespmem:$0x10880] =	vst v63  }
.Ltmp6:
0x151: {  	(pc) =	sbr.rel .LBB2_15-.Ltmp6, $4  }
0x152: {  	_ = 	snop  }
0x153: {  	_ =	swait.ge [sflag:s29], $0x2000  }
0x154: {  	[sflag:s29] =	ssyncset.done $0x0  }
0x155: {  	[sflag:s29] =	ssyncadd.s32 $0xFFFFE000  }
.LBB2_14:
0x156: {  	s6 =	sadd.s32 s12, s14  }
0x157: {  	s6 =	sshll.u32 s6, $0x8  }
.Ltmp7:
0x158: {  	s11 =	simm.s32 $0x880;
	s6 =	sadd.s32 s1, s6;
	(pc) =	sbr.rel @p0 .LBB2_16-.Ltmp7, $4  }
0x159: {  	[tilespmem:s11], [sflag:$0x1] =	stream.strided.gather [hbm4b:s6+s20], $0x2000, s21, s20, $0x38;
	[tilespmem:$0x10880] =	vst v63  }
0x15a: {  	_ =	swait.ge [sflag:s29], $0x2000  }
0x15b: {  	[sflag:s29] =	ssyncset.done $0x0  }
0x15c: {  	[sflag:s29] =	ssyncadd.s32 $0xFFFFE000  }
.LBB2_15:
0x15d: {  	_ =	swait.ge [sflag:s30], $0x2000  }
0x15e: {  	[sflag:s30] =	ssyncset.done $0x0  }
0x15f: {  	[sflag:s30] =	ssyncadd.s32 $0xFFFFE000  }
.LBB2_16:
0x160: {  	s6 =	simm.s32 $0x2A80  }
0x161: {  	v0 =	vld [tilespmem:s6+$0x70]  }
0x162: {  	v1 =	vld [tilespmem:s6+$0xFFFFFE10]  }
0x163: {  	v2 =	vld [tilespmem:s6+$0xFFFFFE20]  }
0x164: {  	v3 =	vld [tilespmem:s6+$0xFFFFFE30]  }
0x165: {  	v4 =	vld [tilespmem:s6+$0xFFFFFE40]  }
0x166: {  	v5 =	vld [tilespmem:s6+$0xFFFFFE50]  }
0x167: {  	v6 =	vld [tilespmem:s6+$0xFFFFFE60]  }
0x168: {  	v7 =	vld [tilespmem:s6+$0xFFFFFE70]  }
0x169: {  	v8 =	vld [tilespmem:s6+$0x0]  }
0x16a: {  	v9 =	vld [tilespmem:s6+$0x10]  }
0x16b: {  	v10 =	vld [tilespmem:s6+$0x20]  }
0x16c: {  	v11 =	vld [tilespmem:s6+$0x30]  }
0x16d: {  	v12 =	vld [tilespmem:s6+$0x40]  }
0x16e: {  	v13 =	vld [tilespmem:s6+$0x50]  }
0x16f: {  	v14 =	vld [tilespmem:s6+$0x60]  }
0x170: {  	v15 =	vld [tilespmem:s6+$0xFFFFFE00]  }
0x171: {  	v0 =	vld.idx.msk [tilespmem:v0+s5+$0x0], $0xffff  }
0x172: {  	v1 =	vld.idx.msk [tilespmem:v1+s5+$0x0], $0xffff  }
0x173: {  	v2 =	vld.idx.msk [tilespmem:v2+s5+$0x0], $0xffff  }
0x174: {  	v3 =	vld.idx.msk [tilespmem:v3+s5+$0x0], $0xffff  }
0x175: {  	v4 =	vld.idx.msk [tilespmem:v4+s5+$0x0], $0xffff  }
0x176: {  	s6 =	simm.s32 $0xAA80;
	v5 =	vld.idx.msk [tilespmem:v5+s5+$0x0], $0xffff  }
0x177: {  	v6 =	vld.idx.msk [tilespmem:v6+s5+$0x0], $0xffff;
	[tilespmem:s6+$0x70] =	vst v0  }
0x178: {  	v7 =	vld.idx.msk [tilespmem:v7+s5+$0x0], $0xffff;
	[tilespmem:s6+$0xFFFFFE10] =	vst v1  }
0x179: {  	v15 =	vld.idx.msk [tilespmem:v15+s5+$0x0], $0xffff;
	[tilespmem:s6+$0xFFFFFE20] =	vst v2  }
0x17a: {  	v8 =	vld.idx.msk [tilespmem:v8+s5+$0x0], $0xffff;
	[tilespmem:s6+$0xFFFFFE30] =	vst v3  }
0x17b: {  	[tilespmem:s6+$0xFFFFFE40] =	vst v4;
	v0 =	vld.idx.msk [tilespmem:v9+s5+$0x0], $0xffff  }
0x17c: {  	[tilespmem:s6+$0xFFFFFE50] =	vst v5;
	v1 =	vld.idx.msk [tilespmem:v10+s5+$0x0], $0xffff  }
0x17d: {  	[tilespmem:s6+$0xFFFFFE60] =	vst v6;
	v2 =	vld.idx.msk [tilespmem:v11+s5+$0x0], $0xffff  }
0x17e: {  	[tilespmem:s6+$0xFFFFFE70] =	vst v7;
	v3 =	vld.idx.msk [tilespmem:v12+s5+$0x0], $0xffff  }
0x17f: {  	s17 =	sadd.s32 $0x1, s13;
	s11 =	simm.s32 $0x0;
	[tilespmem:s6+$0xFFFFFE00] =	vst v15;
	v4 =	vld.idx.msk [tilespmem:v13+s5+$0x0], $0xffff  }
0x180: {  	s25 =	simm.s32 $0xAB00;
	s18 =	simm.s32 $0x2B00;
	s22 =	simm.s32 $0x2E80;
	[tilespmem:s6+$0x0] =	vst v8;
	v5 =	vld.idx.msk [tilespmem:v14+s5+$0x0], $0xffff  }
.LBB2_17:
0x181: {  	v6 =	vld [tilespmem:s22+$0x70];
	s11 =	sadd.s32 $0x100, s11;
	[tilespmem:s6+$0x10] =	vst v0  }
0x182: {  	v0 =	vld [tilespmem:s22+$0xFFFFFE10];
	p1 =	slt.u32 s11, $0x700;
	[tilespmem:s6+$0x20] =	vst v1  }
0x183: {  	v1 =	vld [tilespmem:s22+$0xFFFFFE20];
	[tilespmem:s6+$0x30] =	vst v2  }
0x184: {  	v2 =	vld [tilespmem:s22+$0xFFFFFE30];
	[tilespmem:s6+$0x40] =	vst v3  }
0x185: {  	v3 =	vld [tilespmem:s22+$0xFFFFFE40];
	[tilespmem:s6+$0x50] =	vst v4  }
0x186: {  	v4 =	vld [tilespmem:s22+$0xFFFFFE50];
	[tilespmem:s6+$0x60] =	vst v5  }
0x187: {  	v5 =	vld [tilespmem:s22+$0xFFFFFE60]  }
0x188: {  	v7 =	vld [tilespmem:s22+$0xFFFFFE70]  }
0x189: {  	v6 =	vld.idx.msk [tilespmem:v6+s5+$0x0], $0xffff  }
0x18a: {  	v8 =	vld [tilespmem:s22+$0x0]  }
0x18b: {  	v9 =	vld [tilespmem:s22+$0x10]  }
0x18c: {  	v10 =	vld [tilespmem:s22+$0x20]  }
0x18d: {  	v11 =	vld [tilespmem:s22+$0x30]  }
0x18e: {  	s6 =	sadd.s32 $0x400, s6;
	v12 =	vld [tilespmem:s22+$0x40]  }
0x18f: {  	v13 =	vld [tilespmem:s22+$0x50];
	[tilespmem:s6+$0x70] =	vst v6  }
0x190: {  	v6 =	vld [tilespmem:s22+$0x60]  }
0x191: {  	v14 =	vld [tilespmem:s22+$0xFFFFFE00]  }
0x192: {  	v0 =	vld.idx.msk [tilespmem:v0+s5+$0x0], $0xffff  }
0x193: {  	v1 =	vld.idx.msk [tilespmem:v1+s5+$0x0], $0xffff  }
0x194: {  	v2 =	vld.idx.msk [tilespmem:v2+s5+$0x0], $0xffff  }
0x195: {  	v3 =	vld.idx.msk [tilespmem:v3+s5+$0x0], $0xffff  }
0x196: {  	v4 =	vld.idx.msk [tilespmem:v4+s5+$0x0], $0xffff  }
0x197: {  	v5 =	vld.idx.msk [tilespmem:v5+s5+$0x0], $0xffff  }
0x198: {  	[tilespmem:s6+$0xFFFFFE10] =	vst v0;
	v7 =	vld.idx.msk [tilespmem:v7+s5+$0x0], $0xffff  }
0x199: {  	v14 =	vld.idx.msk [tilespmem:v14+s5+$0x0], $0xffff;
	[tilespmem:s6+$0xFFFFFE20] =	vst v1  }
0x19a: {  	[tilespmem:s6+$0xFFFFFE30] =	vst v2;
	v8 =	vld.idx.msk [tilespmem:v8+s5+$0x0], $0xffff  }
0x19b: {  	[tilespmem:s6+$0xFFFFFE40] =	vst v3;
	v0 =	vld.idx.msk [tilespmem:v9+s5+$0x0], $0xffff  }
.Ltmp8:
0x19c: {  	[tilespmem:s6+$0xFFFFFE50] =	vst v4;
	v1 =	vld.idx.msk [tilespmem:v10+s5+$0x0], $0xffff;
	(pc) =	sbr.rel @p1 .LBB2_17-.Ltmp8, $4  }
0x19d: {  	[tilespmem:s6+$0xFFFFFE60] =	vst v5;
	v2 =	vld.idx.msk [tilespmem:v11+s5+$0x0], $0xffff  }
0x19e: {  	[tilespmem:s6+$0xFFFFFE70] =	vst v7;
	v3 =	vld.idx.msk [tilespmem:v12+s5+$0x0], $0xffff  }
0x19f: {  	[tilespmem:s6+$0xFFFFFE00] =	vst v14;
	v4 =	vld.idx.msk [tilespmem:v13+s5+$0x0], $0xffff  }
0x1a0: {  	s22 =	sadd.s32 $0x400, s22;
	[tilespmem:s6+$0x0] =	vst v8;
	v5 =	vld.idx.msk [tilespmem:v6+s5+$0x0], $0xffff  }
0x1a1: {  	[tilespmem:s6+$0x10] =	vst v0  }
0x1a2: {  	[tilespmem:s6+$0x20] =	vst v1  }
0x1a3: {  	[tilespmem:s6+$0x30] =	vst v2  }
0x1a4: {  	[tilespmem:s6+$0x40] =	vst v3  }
0x1a5: {  	[tilespmem:s6+$0x50] =	vst v4  }
0x1a6: {  	[tilespmem:s6+$0x60] =	vst v5  }
0x1a7: {  	v0 =	vld [tilespmem:s18+$0x70]  }
0x1a8: {  	v1 =	vld [tilespmem:s18+$0xFFFFFE10]  }
0x1a9: {  	v2 =	vld [tilespmem:s18+$0xFFFFFE20]  }
0x1aa: {  	v3 =	vld [tilespmem:s18+$0xFFFFFE30]  }
0x1ab: {  	v4 =	vld [tilespmem:s18+$0xFFFFFE40]  }
0x1ac: {  	v5 =	vld [tilespmem:s18+$0xFFFFFE50]  }
0x1ad: {  	v6 =	vld [tilespmem:s18+$0xFFFFFE60]  }
0x1ae: {  	v7 =	vld [tilespmem:s18+$0xFFFFFE70]  }
0x1af: {  	v8 =	vld [tilespmem:s18+$0x0]  }
0x1b0: {  	v9 =	vld [tilespmem:s18+$0x10]  }
0x1b1: {  	v10 =	vld [tilespmem:s18+$0x20]  }
0x1b2: {  	v11 =	vld [tilespmem:s18+$0x30]  }
0x1b3: {  	v12 =	vld [tilespmem:s18+$0x40]  }
0x1b4: {  	v13 =	vld [tilespmem:s18+$0x50]  }
0x1b5: {  	v14 =	vld [tilespmem:s18+$0x60]  }
0x1b6: {  	v15 =	vld [tilespmem:s18+$0xFFFFFE00]  }
0x1b7: {  	v0 =	vld.idx.msk [tilespmem:v0+s5+$0x0], $0xffff  }
0x1b8: {  	v1 =	vld.idx.msk [tilespmem:v1+s5+$0x0], $0xffff  }
0x1b9: {  	v2 =	vld.idx.msk [tilespmem:v2+s5+$0x0], $0xffff  }
0x1ba: {  	v3 =	vld.idx.msk [tilespmem:v3+s5+$0x0], $0xffff  }
0x1bb: {  	v4 =	vld.idx.msk [tilespmem:v4+s5+$0x0], $0xffff  }
0x1bc: {  	v5 =	vld.idx.msk [tilespmem:v5+s5+$0x0], $0xffff  }
0x1bd: {  	v6 =	vld.idx.msk [tilespmem:v6+s5+$0x0], $0xffff;
	[tilespmem:s25+$0x70] =	vst v0  }
0x1be: {  	v7 =	vld.idx.msk [tilespmem:v7+s5+$0x0], $0xffff;
	[tilespmem:s25+$0xFFFFFE10] =	vst v1  }
0x1bf: {  	v15 =	vld.idx.msk [tilespmem:v15+s5+$0x0], $0xffff;
	[tilespmem:s25+$0xFFFFFE20] =	vst v2  }
0x1c0: {  	v8 =	vld.idx.msk [tilespmem:v8+s5+$0x0], $0xffff;
	[tilespmem:s25+$0xFFFFFE30] =	vst v3  }
0x1c1: {  	[tilespmem:s25+$0xFFFFFE40] =	vst v4;
	v0 =	vld.idx.msk [tilespmem:v9+s5+$0x0], $0xffff  }
0x1c2: {  	[tilespmem:s25+$0xFFFFFE50] =	vst v5;
	v1 =	vld.idx.msk [tilespmem:v10+s5+$0x0], $0xffff  }
0x1c3: {  	[tilespmem:s25+$0xFFFFFE60] =	vst v6;
	v2 =	vld.idx.msk [tilespmem:v11+s5+$0x0], $0xffff  }
0x1c4: {  	[tilespmem:s25+$0xFFFFFE70] =	vst v7;
	v3 =	vld.idx.msk [tilespmem:v12+s5+$0x0], $0xffff  }
0x1c5: {  	s11 =	simm.s32 $0x0;
	[tilespmem:s25+$0xFFFFFE00] =	vst v15;
	v4 =	vld.idx.msk [tilespmem:v13+s5+$0x0], $0xffff  }
0x1c6: {  	s22 =	simm.s32 $0x2F00;
	s6 =	simm.s32 $0xAB80;
	s18 =	simm.s32 $0x2B80;
	[tilespmem:s25+$0x0] =	vst v8;
	v5 =	vld.idx.msk [tilespmem:v14+s5+$0x0], $0xffff  }
.LBB2_19:
0x1c7: {  	v6 =	vld [tilespmem:s22+$0x70];
	s11 =	sadd.s32 $0x100, s11;
	[tilespmem:s25+$0x10] =	vst v0  }
0x1c8: {  	v0 =	vld [tilespmem:s22+$0xFFFFFE10];
	p1 =	slt.u32 s11, $0x700;
	[tilespmem:s25+$0x20] =	vst v1  }
0x1c9: {  	v1 =	vld [tilespmem:s22+$0xFFFFFE20];
	[tilespmem:s25+$0x30] =	vst v2  }
0x1ca: {  	v2 =	vld [tilespmem:s22+$0xFFFFFE30];
	[tilespmem:s25+$0x40] =	vst v3  }
0x1cb: {  	v3 =	vld [tilespmem:s22+$0xFFFFFE40];
	[tilespmem:s25+$0x50] =	vst v4  }
0x1cc: {  	v4 =	vld [tilespmem:s22+$0xFFFFFE50];
	[tilespmem:s25+$0x60] =	vst v5  }
0x1cd: {  	v5 =	vld [tilespmem:s22+$0xFFFFFE60]  }
0x1ce: {  	v7 =	vld [tilespmem:s22+$0xFFFFFE70]  }
0x1cf: {  	v6 =	vld.idx.msk [tilespmem:v6+s5+$0x0], $0xffff  }
0x1d0: {  	v8 =	vld [tilespmem:s22+$0x0]  }
0x1d1: {  	v9 =	vld [tilespmem:s22+$0x10]  }
0x1d2: {  	v10 =	vld [tilespmem:s22+$0x20]  }
0x1d3: {  	v11 =	vld [tilespmem:s22+$0x30]  }
0x1d4: {  	s25 =	sadd.s32 $0x400, s25;
	v12 =	vld [tilespmem:s22+$0x40]  }
0x1d5: {  	v13 =	vld [tilespmem:s22+$0x50];
	[tilespmem:s25+$0x70] =	vst v6  }
0x1d6: {  	v6 =	vld [tilespmem:s22+$0x60]  }
0x1d7: {  	v14 =	vld [tilespmem:s22+$0xFFFFFE00]  }
0x1d8: {  	v0 =	vld.idx.msk [tilespmem:v0+s5+$0x0], $0xffff  }
0x1d9: {  	v1 =	vld.idx.msk [tilespmem:v1+s5+$0x0], $0xffff  }
0x1da: {  	v2 =	vld.idx.msk [tilespmem:v2+s5+$0x0], $0xffff  }
0x1db: {  	v3 =	vld.idx.msk [tilespmem:v3+s5+$0x0], $0xffff  }
0x1dc: {  	v4 =	vld.idx.msk [tilespmem:v4+s5+$0x0], $0xffff  }
0x1dd: {  	v5 =	vld.idx.msk [tilespmem:v5+s5+$0x0], $0xffff  }
0x1de: {  	[tilespmem:s25+$0xFFFFFE10] =	vst v0;
	v7 =	vld.idx.msk [tilespmem:v7+s5+$0x0], $0xffff  }
0x1df: {  	v14 =	vld.idx.msk [tilespmem:v14+s5+$0x0], $0xffff;
	[tilespmem:s25+$0xFFFFFE20] =	vst v1  }
0x1e0: {  	[tilespmem:s25+$0xFFFFFE30] =	vst v2;
	v8 =	vld.idx.msk [tilespmem:v8+s5+$0x0], $0xffff  }
0x1e1: {  	[tilespmem:s25+$0xFFFFFE40] =	vst v3;
	v0 =	vld.idx.msk [tilespmem:v9+s5+$0x0], $0xffff  }
.Ltmp9:
0x1e2: {  	[tilespmem:s25+$0xFFFFFE50] =	vst v4;
	v1 =	vld.idx.msk [tilespmem:v10+s5+$0x0], $0xffff;
	(pc) =	sbr.rel @p1 .LBB2_19-.Ltmp9, $4  }
0x1e3: {  	[tilespmem:s25+$0xFFFFFE60] =	vst v5;
	v2 =	vld.idx.msk [tilespmem:v11+s5+$0x0], $0xffff  }
0x1e4: {  	[tilespmem:s25+$0xFFFFFE70] =	vst v7;
	v3 =	vld.idx.msk [tilespmem:v12+s5+$0x0], $0xffff  }
0x1e5: {  	[tilespmem:s25+$0xFFFFFE00] =	vst v14;
	v4 =	vld.idx.msk [tilespmem:v13+s5+$0x0], $0xffff  }
0x1e6: {  	s22 =	sadd.s32 $0x400, s22;
	[tilespmem:s25+$0x0] =	vst v8;
	v5 =	vld.idx.msk [tilespmem:v6+s5+$0x0], $0xffff  }
0x1e7: {  	[tilespmem:s25+$0x10] =	vst v0  }
0x1e8: {  	[tilespmem:s25+$0x20] =	vst v1  }
0x1e9: {  	[tilespmem:s25+$0x30] =	vst v2  }
0x1ea: {  	[tilespmem:s25+$0x40] =	vst v3  }
0x1eb: {  	[tilespmem:s25+$0x50] =	vst v4  }
0x1ec: {  	[tilespmem:s25+$0x60] =	vst v5  }
0x1ed: {  	v0 =	vld [tilespmem:s18+$0x70]  }
0x1ee: {  	v1 =	vld [tilespmem:s18+$0xFFFFFE10]  }
0x1ef: {  	v2 =	vld [tilespmem:s18+$0xFFFFFE20]  }
0x1f0: {  	v3 =	vld [tilespmem:s18+$0xFFFFFE30]  }
0x1f1: {  	v4 =	vld [tilespmem:s18+$0xFFFFFE40]  }
0x1f2: {  	v5 =	vld [tilespmem:s18+$0xFFFFFE50]  }
0x1f3: {  	v6 =	vld [tilespmem:s18+$0xFFFFFE60]  }
0x1f4: {  	v7 =	vld [tilespmem:s18+$0xFFFFFE70]  }
0x1f5: {  	v8 =	vld [tilespmem:s18+$0x0]  }
0x1f6: {  	v9 =	vld [tilespmem:s18+$0x10]  }
0x1f7: {  	v10 =	vld [tilespmem:s18+$0x20]  }
0x1f8: {  	v11 =	vld [tilespmem:s18+$0x30]  }
0x1f9: {  	v12 =	vld [tilespmem:s18+$0x40]  }
0x1fa: {  	v13 =	vld [tilespmem:s18+$0x50]  }
0x1fb: {  	v14 =	vld [tilespmem:s18+$0x60]  }
0x1fc: {  	v15 =	vld [tilespmem:s18+$0xFFFFFE00]  }
0x1fd: {  	v0 =	vld.idx.msk [tilespmem:v0+s5+$0x0], $0xffff  }
0x1fe: {  	v1 =	vld.idx.msk [tilespmem:v1+s5+$0x0], $0xffff  }
0x1ff: {  	v2 =	vld.idx.msk [tilespmem:v2+s5+$0x0], $0xffff  }
0x200: {  	v3 =	vld.idx.msk [tilespmem:v3+s5+$0x0], $0xffff  }
0x201: {  	v4 =	vld.idx.msk [tilespmem:v4+s5+$0x0], $0xffff  }
0x202: {  	v5 =	vld.idx.msk [tilespmem:v5+s5+$0x0], $0xffff  }
0x203: {  	v6 =	vld.idx.msk [tilespmem:v6+s5+$0x0], $0xffff;
	[tilespmem:s6+$0x70] =	vst v0  }
0x204: {  	v7 =	vld.idx.msk [tilespmem:v7+s5+$0x0], $0xffff;
	[tilespmem:s6+$0xFFFFFE10] =	vst v1  }
0x205: {  	v15 =	vld.idx.msk [tilespmem:v15+s5+$0x0], $0xffff;
	[tilespmem:s6+$0xFFFFFE20] =	vst v2  }
0x206: {  	v8 =	vld.idx.msk [tilespmem:v8+s5+$0x0], $0xffff;
	[tilespmem:s6+$0xFFFFFE30] =	vst v3  }
0x207: {  	[tilespmem:s6+$0xFFFFFE40] =	vst v4;
	v0 =	vld.idx.msk [tilespmem:v9+s5+$0x0], $0xffff  }
0x208: {  	[tilespmem:s6+$0xFFFFFE50] =	vst v5;
	v1 =	vld.idx.msk [tilespmem:v10+s5+$0x0], $0xffff  }
0x209: {  	[tilespmem:s6+$0xFFFFFE60] =	vst v6;
	v2 =	vld.idx.msk [tilespmem:v11+s5+$0x0], $0xffff  }
0x20a: {  	[tilespmem:s6+$0xFFFFFE70] =	vst v7;
	v3 =	vld.idx.msk [tilespmem:v12+s5+$0x0], $0xffff  }
0x20b: {  	s11 =	simm.s32 $0x0;
	[tilespmem:s6+$0xFFFFFE00] =	vst v15;
	v4 =	vld.idx.msk [tilespmem:v13+s5+$0x0], $0xffff  }
0x20c: {  	s22 =	simm.s32 $0x2F80;
	s25 =	simm.s32 $0xAC00;
	s18 =	simm.s32 $0x2C00;
	[tilespmem:s6+$0x0] =	vst v8;
	v5 =	vld.idx.msk [tilespmem:v14+s5+$0x0], $0xffff  }
.LBB2_21:
0x20d: {  	v6 =	vld [tilespmem:s22+$0x70];
	s11 =	sadd.s32 $0x100, s11;
	[tilespmem:s6+$0x10] =	vst v0  }
0x20e: {  	v0 =	vld [tilespmem:s22+$0xFFFFFE10];
	p1 =	slt.u32 s11, $0x700;
	[tilespmem:s6+$0x20] =	vst v1  }
0x20f: {  	v1 =	vld [tilespmem:s22+$0xFFFFFE20];
	[tilespmem:s6+$0x30] =	vst v2  }
0x210: {  	v2 =	vld [tilespmem:s22+$0xFFFFFE30];
	[tilespmem:s6+$0x40] =	vst v3  }
0x211: {  	v3 =	vld [tilespmem:s22+$0xFFFFFE40];
	[tilespmem:s6+$0x50] =	vst v4  }
0x212: {  	v4 =	vld [tilespmem:s22+$0xFFFFFE50];
	[tilespmem:s6+$0x60] =	vst v5  }
0x213: {  	v5 =	vld [tilespmem:s22+$0xFFFFFE60]  }
0x214: {  	v7 =	vld [tilespmem:s22+$0xFFFFFE70]  }
0x215: {  	v6 =	vld.idx.msk [tilespmem:v6+s5+$0x0], $0xffff  }
0x216: {  	v8 =	vld [tilespmem:s22+$0x0]  }
0x217: {  	v9 =	vld [tilespmem:s22+$0x10]  }
0x218: {  	v10 =	vld [tilespmem:s22+$0x20]  }
0x219: {  	v11 =	vld [tilespmem:s22+$0x30]  }
0x21a: {  	s6 =	sadd.s32 $0x400, s6;
	v12 =	vld [tilespmem:s22+$0x40]  }
0x21b: {  	v13 =	vld [tilespmem:s22+$0x50];
	[tilespmem:s6+$0x70] =	vst v6  }
0x21c: {  	v6 =	vld [tilespmem:s22+$0x60]  }
0x21d: {  	v14 =	vld [tilespmem:s22+$0xFFFFFE00]  }
0x21e: {  	v0 =	vld.idx.msk [tilespmem:v0+s5+$0x0], $0xffff  }
0x21f: {  	v1 =	vld.idx.msk [tilespmem:v1+s5+$0x0], $0xffff  }
0x220: {  	v2 =	vld.idx.msk [tilespmem:v2+s5+$0x0], $0xffff  }
0x221: {  	v3 =	vld.idx.msk [tilespmem:v3+s5+$0x0], $0xffff  }
0x222: {  	v4 =	vld.idx.msk [tilespmem:v4+s5+$0x0], $0xffff  }
0x223: {  	v5 =	vld.idx.msk [tilespmem:v5+s5+$0x0], $0xffff  }
0x224: {  	[tilespmem:s6+$0xFFFFFE10] =	vst v0;
	v7 =	vld.idx.msk [tilespmem:v7+s5+$0x0], $0xffff  }
0x225: {  	v14 =	vld.idx.msk [tilespmem:v14+s5+$0x0], $0xffff;
	[tilespmem:s6+$0xFFFFFE20] =	vst v1  }
0x226: {  	[tilespmem:s6+$0xFFFFFE30] =	vst v2;
	v8 =	vld.idx.msk [tilespmem:v8+s5+$0x0], $0xffff  }
0x227: {  	[tilespmem:s6+$0xFFFFFE40] =	vst v3;
	v0 =	vld.idx.msk [tilespmem:v9+s5+$0x0], $0xffff  }
.Ltmp10:
0x228: {  	[tilespmem:s6+$0xFFFFFE50] =	vst v4;
	v1 =	vld.idx.msk [tilespmem:v10+s5+$0x0], $0xffff;
	(pc) =	sbr.rel @p1 .LBB2_21-.Ltmp10, $4  }
0x229: {  	[tilespmem:s6+$0xFFFFFE60] =	vst v5;
	v2 =	vld.idx.msk [tilespmem:v11+s5+$0x0], $0xffff  }
0x22a: {  	[tilespmem:s6+$0xFFFFFE70] =	vst v7;
	v3 =	vld.idx.msk [tilespmem:v12+s5+$0x0], $0xffff  }
0x22b: {  	[tilespmem:s6+$0xFFFFFE00] =	vst v14;
	v4 =	vld.idx.msk [tilespmem:v13+s5+$0x0], $0xffff  }
0x22c: {  	s22 =	sadd.s32 $0x400, s22;
	[tilespmem:s6+$0x0] =	vst v8;
	v5 =	vld.idx.msk [tilespmem:v6+s5+$0x0], $0xffff  }
0x22d: {  	[tilespmem:s6+$0x10] =	vst v0  }
0x22e: {  	[tilespmem:s6+$0x20] =	vst v1  }
0x22f: {  	[tilespmem:s6+$0x30] =	vst v2  }
0x230: {  	[tilespmem:s6+$0x40] =	vst v3  }
0x231: {  	[tilespmem:s6+$0x50] =	vst v4  }
0x232: {  	[tilespmem:s6+$0x60] =	vst v5  }
0x233: {  	v0 =	vld [tilespmem:s18+$0x70]  }
0x234: {  	v1 =	vld [tilespmem:s18+$0xFFFFFE10]  }
0x235: {  	v2 =	vld [tilespmem:s18+$0xFFFFFE20]  }
0x236: {  	v3 =	vld [tilespmem:s18+$0xFFFFFE30]  }
0x237: {  	v4 =	vld [tilespmem:s18+$0xFFFFFE40]  }
0x238: {  	v5 =	vld [tilespmem:s18+$0xFFFFFE50]  }
0x239: {  	v6 =	vld [tilespmem:s18+$0xFFFFFE60]  }
0x23a: {  	v7 =	vld [tilespmem:s18+$0xFFFFFE70]  }
0x23b: {  	v8 =	vld [tilespmem:s18+$0x0]  }
0x23c: {  	v9 =	vld [tilespmem:s18+$0x10]  }
0x23d: {  	v10 =	vld [tilespmem:s18+$0x20]  }
0x23e: {  	v11 =	vld [tilespmem:s18+$0x30]  }
0x23f: {  	v12 =	vld [tilespmem:s18+$0x40]  }
0x240: {  	v13 =	vld [tilespmem:s18+$0x50]  }
0x241: {  	v14 =	vld [tilespmem:s18+$0x60]  }
0x242: {  	v15 =	vld [tilespmem:s18+$0xFFFFFE00]  }
0x243: {  	v0 =	vld.idx.msk [tilespmem:v0+s5+$0x0], $0xffff  }
0x244: {  	v1 =	vld.idx.msk [tilespmem:v1+s5+$0x0], $0xffff  }
0x245: {  	v2 =	vld.idx.msk [tilespmem:v2+s5+$0x0], $0xffff  }
0x246: {  	v3 =	vld.idx.msk [tilespmem:v3+s5+$0x0], $0xffff  }
0x247: {  	v4 =	vld.idx.msk [tilespmem:v4+s5+$0x0], $0xffff  }
0x248: {  	v5 =	vld.idx.msk [tilespmem:v5+s5+$0x0], $0xffff  }
0x249: {  	v6 =	vld.idx.msk [tilespmem:v6+s5+$0x0], $0xffff;
	[tilespmem:s25+$0x70] =	vst v0  }
0x24a: {  	v7 =	vld.idx.msk [tilespmem:v7+s5+$0x0], $0xffff;
	[tilespmem:s25+$0xFFFFFE10] =	vst v1  }
0x24b: {  	v15 =	vld.idx.msk [tilespmem:v15+s5+$0x0], $0xffff;
	[tilespmem:s25+$0xFFFFFE20] =	vst v2  }
0x24c: {  	v8 =	vld.idx.msk [tilespmem:v8+s5+$0x0], $0xffff;
	[tilespmem:s25+$0xFFFFFE30] =	vst v3  }
0x24d: {  	[tilespmem:s25+$0xFFFFFE40] =	vst v4;
	v0 =	vld.idx.msk [tilespmem:v9+s5+$0x0], $0xffff  }
0x24e: {  	[tilespmem:s25+$0xFFFFFE50] =	vst v5;
	v1 =	vld.idx.msk [tilespmem:v10+s5+$0x0], $0xffff  }
0x24f: {  	[tilespmem:s25+$0xFFFFFE60] =	vst v6;
	v2 =	vld.idx.msk [tilespmem:v11+s5+$0x0], $0xffff  }
0x250: {  	[tilespmem:s25+$0xFFFFFE70] =	vst v7;
	v3 =	vld.idx.msk [tilespmem:v12+s5+$0x0], $0xffff  }
0x251: {  	[tilespmem:s25+$0xFFFFFE00] =	vst v15;
	v4 =	vld.idx.msk [tilespmem:v13+s5+$0x0], $0xffff  }
0x252: {  	s11 =	simm.s32 $0x3000;
	s6 =	simm.s32 $0x0;
	[tilespmem:s25+$0x0] =	vst v8;
	v5 =	vld.idx.msk [tilespmem:v14+s5+$0x0], $0xffff  }
.LBB2_23:
0x253: {  	v6 =	vld [tilespmem:s11+$0x70];
	s6 =	sadd.s32 $0x100, s6;
	[tilespmem:s25+$0x10] =	vst v0  }
0x254: {  	v0 =	vld [tilespmem:s11+$0xFFFFFE10];
	p1 =	slt.u32 s6, $0x700;
	[tilespmem:s25+$0x20] =	vst v1  }
0x255: {  	v1 =	vld [tilespmem:s11+$0xFFFFFE20];
	[tilespmem:s25+$0x30] =	vst v2  }
0x256: {  	v2 =	vld [tilespmem:s11+$0xFFFFFE30];
	[tilespmem:s25+$0x40] =	vst v3  }
0x257: {  	v3 =	vld [tilespmem:s11+$0xFFFFFE40];
	[tilespmem:s25+$0x50] =	vst v4  }
0x258: {  	v4 =	vld [tilespmem:s11+$0xFFFFFE50];
	[tilespmem:s25+$0x60] =	vst v5  }
0x259: {  	v5 =	vld [tilespmem:s11+$0xFFFFFE60]  }
0x25a: {  	v7 =	vld [tilespmem:s11+$0xFFFFFE70]  }
0x25b: {  	v6 =	vld.idx.msk [tilespmem:v6+s5+$0x0], $0xffff  }
0x25c: {  	v8 =	vld [tilespmem:s11+$0x0]  }
0x25d: {  	v9 =	vld [tilespmem:s11+$0x10]  }
0x25e: {  	v10 =	vld [tilespmem:s11+$0x20]  }
0x25f: {  	v11 =	vld [tilespmem:s11+$0x30]  }
0x260: {  	s25 =	sadd.s32 $0x400, s25;
	v12 =	vld [tilespmem:s11+$0x40]  }
0x261: {  	v13 =	vld [tilespmem:s11+$0x50];
	[tilespmem:s25+$0x70] =	vst v6  }
0x262: {  	v6 =	vld [tilespmem:s11+$0x60]  }
0x263: {  	v14 =	vld [tilespmem:s11+$0xFFFFFE00]  }
0x264: {  	v0 =	vld.idx.msk [tilespmem:v0+s5+$0x0], $0xffff  }
0x265: {  	v1 =	vld.idx.msk [tilespmem:v1+s5+$0x0], $0xffff  }
0x266: {  	v2 =	vld.idx.msk [tilespmem:v2+s5+$0x0], $0xffff  }
0x267: {  	v3 =	vld.idx.msk [tilespmem:v3+s5+$0x0], $0xffff  }
0x268: {  	v4 =	vld.idx.msk [tilespmem:v4+s5+$0x0], $0xffff  }
0x269: {  	v5 =	vld.idx.msk [tilespmem:v5+s5+$0x0], $0xffff  }
0x26a: {  	[tilespmem:s25+$0xFFFFFE10] =	vst v0;
	v7 =	vld.idx.msk [tilespmem:v7+s5+$0x0], $0xffff  }
0x26b: {  	v14 =	vld.idx.msk [tilespmem:v14+s5+$0x0], $0xffff;
	[tilespmem:s25+$0xFFFFFE20] =	vst v1  }
0x26c: {  	[tilespmem:s25+$0xFFFFFE30] =	vst v2;
	v8 =	vld.idx.msk [tilespmem:v8+s5+$0x0], $0xffff  }
0x26d: {  	[tilespmem:s25+$0xFFFFFE40] =	vst v3;
	v0 =	vld.idx.msk [tilespmem:v9+s5+$0x0], $0xffff  }
.Ltmp11:
0x26e: {  	[tilespmem:s25+$0xFFFFFE50] =	vst v4;
	v1 =	vld.idx.msk [tilespmem:v10+s5+$0x0], $0xffff;
	(pc) =	sbr.rel @p1 .LBB2_23-.Ltmp11, $4  }
0x26f: {  	[tilespmem:s25+$0xFFFFFE60] =	vst v5;
	v2 =	vld.idx.msk [tilespmem:v11+s5+$0x0], $0xffff  }
0x270: {  	[tilespmem:s25+$0xFFFFFE70] =	vst v7;
	v3 =	vld.idx.msk [tilespmem:v12+s5+$0x0], $0xffff  }
0x271: {  	[tilespmem:s25+$0xFFFFFE00] =	vst v14;
	v4 =	vld.idx.msk [tilespmem:v13+s5+$0x0], $0xffff  }
0x272: {  	s11 =	sadd.s32 $0x400, s11;
	[tilespmem:s25+$0x0] =	vst v8;
	v5 =	vld.idx.msk [tilespmem:v6+s5+$0x0], $0xffff  }
0x273: {  	[tilespmem:s25+$0x10] =	vst v0  }
0x274: {  	[tilespmem:s25+$0x20] =	vst v1  }
0x275: {  	[tilespmem:s25+$0x30] =	vst v2  }
0x276: {  	[tilespmem:s25+$0x40] =	vst v3  }
0x277: {  	[tilespmem:s25+$0x50] =	vst v4  }
0x278: {  	p1 =	seq.s32 s13, $0x1F;
	s6 =	sadd.s32 s10, s15;
	[tilespmem:s25+$0x60] =	vst v5  }
0x279: {  	[hbm4b:s6+s20] =	stream.strided.scatter [tilespmem:s31], [sflag:$0x6], $0x2000, s21, s20, $0x38;
	[tilespmem:$0x10880] =	vst v63  }
0x27a: {  	s6 =	sadd.s32 @!p1 s12, s14  }
0x27b: {  	s6 =	sshll.u32 @!p1 s6, $0x8  }
0x27c: {  	s10 =	simm.s32 @!p1 $0x200;
	s6 =	sand.u32 @!p1 $0x7FF000, s6  }
0x27d: {  	s11 =	simm.s32 @!p1 $0x400;
	s13 =	simm.s32 @!p1 $0x2880;
	s6 =	sadd.s32 @!p1 s6, s9  }
0x27e: {  	[tilespmem:s13], [sflag:$0x2] =	stream.strided.gather @!p1 [hbm4b:s6+s10], $0x2000, s11, s10, $0x38;
	[tilespmem:$0x10880] =	vst v63  }
0x27f: {  	_ =	swait.ge [sflag:s0], $0x2000  }
0x280: {  	[sflag:s0] =	ssyncset.done $0x0  }
0x281: {  	s6 =	simm.s32 @!p0 $0x7;
	[sflag:s0] =	ssyncadd.s32 $0xFFFFE000  }
0x282: {  	_ =	swait.ge @!p0 [sflag:s6], $0x2000  }
0x283: {  	[sflag:s6] =	ssyncset.done @!p0 $0x0  }
0x284: {  	s25 =	simm.s32 $0x4A80;
	[sflag:s6] =	ssyncadd.s32 @!p0 $0xFFFFE000  }
0x285: {  	v0 =	vld [tilespmem:s25+$0x70]  }
0x286: {  	v1 =	vld [tilespmem:s25+$0xFFFFFE10]  }
0x287: {  	v2 =	vld [tilespmem:s25+$0xFFFFFE20]  }
0x288: {  	v3 =	vld [tilespmem:s25+$0xFFFFFE30]  }
0x289: {  	v4 =	vld [tilespmem:s25+$0xFFFFFE40]  }
0x28a: {  	v5 =	vld [tilespmem:s25+$0xFFFFFE50]  }
0x28b: {  	v6 =	vld [tilespmem:s25+$0xFFFFFE60]  }
0x28c: {  	v7 =	vld [tilespmem:s25+$0xFFFFFE70]  }
0x28d: {  	v8 =	vld [tilespmem:s25+$0x0]  }
0x28e: {  	v9 =	vld [tilespmem:s25+$0x10]  }
0x28f: {  	v10 =	vld [tilespmem:s25+$0x20]  }
0x290: {  	v11 =	vld [tilespmem:s25+$0x30]  }
0x291: {  	v12 =	vld [tilespmem:s25+$0x40]  }
0x292: {  	v13 =	vld [tilespmem:s25+$0x50]  }
0x293: {  	v14 =	vld [tilespmem:s25+$0x60]  }
0x294: {  	v15 =	vld [tilespmem:s25+$0xFFFFFE00]  }
0x295: {  	v0 =	vld.idx.msk [tilespmem:v0+s5+$0x0], $0xffff  }
0x296: {  	v1 =	vld.idx.msk [tilespmem:v1+s5+$0x0], $0xffff  }
0x297: {  	v2 =	vld.idx.msk [tilespmem:v2+s5+$0x0], $0xffff  }
0x298: {  	v3 =	vld.idx.msk [tilespmem:v3+s5+$0x0], $0xffff  }
0x299: {  	v4 =	vld.idx.msk [tilespmem:v4+s5+$0x0], $0xffff  }
0x29a: {  	s13 =	simm.s32 $0xCA80;
	v5 =	vld.idx.msk [tilespmem:v5+s5+$0x0], $0xffff  }
0x29b: {  	v6 =	vld.idx.msk [tilespmem:v6+s5+$0x0], $0xffff;
	[tilespmem:s13+$0x70] =	vst v0  }
0x29c: {  	v7 =	vld.idx.msk [tilespmem:v7+s5+$0x0], $0xffff;
	[tilespmem:s13+$0xFFFFFE10] =	vst v1  }
0x29d: {  	v15 =	vld.idx.msk [tilespmem:v15+s5+$0x0], $0xffff;
	[tilespmem:s13+$0xFFFFFE20] =	vst v2  }
0x29e: {  	v8 =	vld.idx.msk [tilespmem:v8+s5+$0x0], $0xffff;
	[tilespmem:s13+$0xFFFFFE30] =	vst v3  }
0x29f: {  	[tilespmem:s13+$0xFFFFFE40] =	vst v4;
	v0 =	vld.idx.msk [tilespmem:v9+s5+$0x0], $0xffff  }
0x2a0: {  	[tilespmem:s13+$0xFFFFFE50] =	vst v5;
	v1 =	vld.idx.msk [tilespmem:v10+s5+$0x0], $0xffff  }
0x2a1: {  	[tilespmem:s13+$0xFFFFFE60] =	vst v6;
	v2 =	vld.idx.msk [tilespmem:v11+s5+$0x0], $0xffff  }
0x2a2: {  	[tilespmem:s13+$0xFFFFFE70] =	vst v7;
	v3 =	vld.idx.msk [tilespmem:v12+s5+$0x0], $0xffff  }
0x2a3: {  	s18 =	simm.s32 $0x4B00;
	s22 =	simm.s32 $0x4E80;
	[tilespmem:s13+$0xFFFFFE00] =	vst v15;
	v4 =	vld.idx.msk [tilespmem:v13+s5+$0x0], $0xffff  }
0x2a4: {  	s10 =	sor.u32 s12, s7;
	s11 =	simm.s32 $0x0;
	s6 =	simm.s32 $0xCB00;
	[tilespmem:s13+$0x0] =	vst v8;
	v5 =	vld.idx.msk [tilespmem:v14+s5+$0x0], $0xffff  }
.LBB2_25:
0x2a5: {  	v6 =	vld [tilespmem:s22+$0x70];
	s11 =	sadd.s32 $0x100, s11;
	[tilespmem:s13+$0x10] =	vst v0  }
0x2a6: {  	v0 =	vld [tilespmem:s22+$0xFFFFFE10];
	p3 =	slt.u32 s11, $0x700;
	[tilespmem:s13+$0x20] =	vst v1  }
0x2a7: {  	v1 =	vld [tilespmem:s22+$0xFFFFFE20];
	[tilespmem:s13+$0x30] =	vst v2  }
0x2a8: {  	v2 =	vld [tilespmem:s22+$0xFFFFFE30];
	[tilespmem:s13+$0x40] =	vst v3  }
0x2a9: {  	v3 =	vld [tilespmem:s22+$0xFFFFFE40];
	[tilespmem:s13+$0x50] =	vst v4  }
0x2aa: {  	v4 =	vld [tilespmem:s22+$0xFFFFFE50];
	[tilespmem:s13+$0x60] =	vst v5  }
0x2ab: {  	v5 =	vld [tilespmem:s22+$0xFFFFFE60]  }
0x2ac: {  	v7 =	vld [tilespmem:s22+$0xFFFFFE70]  }
0x2ad: {  	v6 =	vld.idx.msk [tilespmem:v6+s5+$0x0], $0xffff  }
0x2ae: {  	v8 =	vld [tilespmem:s22+$0x0]  }
0x2af: {  	v9 =	vld [tilespmem:s22+$0x10]  }
0x2b0: {  	v10 =	vld [tilespmem:s22+$0x20]  }
0x2b1: {  	v11 =	vld [tilespmem:s22+$0x30]  }
0x2b2: {  	s13 =	sadd.s32 $0x400, s13;
	v12 =	vld [tilespmem:s22+$0x40]  }
0x2b3: {  	v13 =	vld [tilespmem:s22+$0x50];
	[tilespmem:s13+$0x70] =	vst v6  }
0x2b4: {  	v6 =	vld [tilespmem:s22+$0x60]  }
0x2b5: {  	v14 =	vld [tilespmem:s22+$0xFFFFFE00]  }
0x2b6: {  	v0 =	vld.idx.msk [tilespmem:v0+s5+$0x0], $0xffff  }
0x2b7: {  	v1 =	vld.idx.msk [tilespmem:v1+s5+$0x0], $0xffff  }
0x2b8: {  	v2 =	vld.idx.msk [tilespmem:v2+s5+$0x0], $0xffff  }
0x2b9: {  	v3 =	vld.idx.msk [tilespmem:v3+s5+$0x0], $0xffff  }
0x2ba: {  	v4 =	vld.idx.msk [tilespmem:v4+s5+$0x0], $0xffff  }
0x2bb: {  	v5 =	vld.idx.msk [tilespmem:v5+s5+$0x0], $0xffff  }
0x2bc: {  	[tilespmem:s13+$0xFFFFFE10] =	vst v0;
	v7 =	vld.idx.msk [tilespmem:v7+s5+$0x0], $0xffff  }
0x2bd: {  	v14 =	vld.idx.msk [tilespmem:v14+s5+$0x0], $0xffff;
	[tilespmem:s13+$0xFFFFFE20] =	vst v1  }
0x2be: {  	[tilespmem:s13+$0xFFFFFE30] =	vst v2;
	v8 =	vld.idx.msk [tilespmem:v8+s5+$0x0], $0xffff  }
0x2bf: {  	[tilespmem:s13+$0xFFFFFE40] =	vst v3;
	v0 =	vld.idx.msk [tilespmem:v9+s5+$0x0], $0xffff  }
.Ltmp12:
0x2c0: {  	[tilespmem:s13+$0xFFFFFE50] =	vst v4;
	v1 =	vld.idx.msk [tilespmem:v10+s5+$0x0], $0xffff;
	(pc) =	sbr.rel @p3 .LBB2_25-.Ltmp12, $4  }
0x2c1: {  	[tilespmem:s13+$0xFFFFFE60] =	vst v5;
	v2 =	vld.idx.msk [tilespmem:v11+s5+$0x0], $0xffff  }
0x2c2: {  	[tilespmem:s13+$0xFFFFFE70] =	vst v7;
	v3 =	vld.idx.msk [tilespmem:v12+s5+$0x0], $0xffff  }
0x2c3: {  	[tilespmem:s13+$0xFFFFFE00] =	vst v14;
	v4 =	vld.idx.msk [tilespmem:v13+s5+$0x0], $0xffff  }
0x2c4: {  	s22 =	sadd.s32 $0x400, s22;
	[tilespmem:s13+$0x0] =	vst v8;
	v5 =	vld.idx.msk [tilespmem:v6+s5+$0x0], $0xffff  }
0x2c5: {  	[tilespmem:s13+$0x10] =	vst v0  }
0x2c6: {  	[tilespmem:s13+$0x20] =	vst v1  }
0x2c7: {  	[tilespmem:s13+$0x30] =	vst v2  }
0x2c8: {  	[tilespmem:s13+$0x40] =	vst v3  }
0x2c9: {  	[tilespmem:s13+$0x50] =	vst v4  }
0x2ca: {  	[tilespmem:s13+$0x60] =	vst v5  }
0x2cb: {  	v0 =	vld [tilespmem:s18+$0x70]  }
0x2cc: {  	v1 =	vld [tilespmem:s18+$0xFFFFFE10]  }
0x2cd: {  	v2 =	vld [tilespmem:s18+$0xFFFFFE20]  }
0x2ce: {  	v3 =	vld [tilespmem:s18+$0xFFFFFE30]  }
0x2cf: {  	v4 =	vld [tilespmem:s18+$0xFFFFFE40]  }
0x2d0: {  	v5 =	vld [tilespmem:s18+$0xFFFFFE50]  }
0x2d1: {  	v6 =	vld [tilespmem:s18+$0xFFFFFE60]  }
0x2d2: {  	v7 =	vld [tilespmem:s18+$0xFFFFFE70]  }
0x2d3: {  	v8 =	vld [tilespmem:s18+$0x0]  }
0x2d4: {  	v9 =	vld [tilespmem:s18+$0x10]  }
0x2d5: {  	v10 =	vld [tilespmem:s18+$0x20]  }
0x2d6: {  	v11 =	vld [tilespmem:s18+$0x30]  }
0x2d7: {  	v12 =	vld [tilespmem:s18+$0x40]  }
0x2d8: {  	v13 =	vld [tilespmem:s18+$0x50]  }
0x2d9: {  	v14 =	vld [tilespmem:s18+$0x60]  }
0x2da: {  	v15 =	vld [tilespmem:s18+$0xFFFFFE00]  }
0x2db: {  	v0 =	vld.idx.msk [tilespmem:v0+s5+$0x0], $0xffff  }
0x2dc: {  	v1 =	vld.idx.msk [tilespmem:v1+s5+$0x0], $0xffff  }
0x2dd: {  	v2 =	vld.idx.msk [tilespmem:v2+s5+$0x0], $0xffff  }
0x2de: {  	v3 =	vld.idx.msk [tilespmem:v3+s5+$0x0], $0xffff  }
0x2df: {  	v4 =	vld.idx.msk [tilespmem:v4+s5+$0x0], $0xffff  }
0x2e0: {  	v5 =	vld.idx.msk [tilespmem:v5+s5+$0x0], $0xffff  }
0x2e1: {  	v6 =	vld.idx.msk [tilespmem:v6+s5+$0x0], $0xffff;
	[tilespmem:s6+$0x70] =	vst v0  }
0x2e2: {  	v7 =	vld.idx.msk [tilespmem:v7+s5+$0x0], $0xffff;
	[tilespmem:s6+$0xFFFFFE10] =	vst v1  }
0x2e3: {  	v15 =	vld.idx.msk [tilespmem:v15+s5+$0x0], $0xffff;
	[tilespmem:s6+$0xFFFFFE20] =	vst v2  }
0x2e4: {  	v8 =	vld.idx.msk [tilespmem:v8+s5+$0x0], $0xffff;
	[tilespmem:s6+$0xFFFFFE30] =	vst v3  }
0x2e5: {  	[tilespmem:s6+$0xFFFFFE40] =	vst v4;
	v0 =	vld.idx.msk [tilespmem:v9+s5+$0x0], $0xffff  }
0x2e6: {  	[tilespmem:s6+$0xFFFFFE50] =	vst v5;
	v1 =	vld.idx.msk [tilespmem:v10+s5+$0x0], $0xffff  }
0x2e7: {  	[tilespmem:s6+$0xFFFFFE60] =	vst v6;
	v2 =	vld.idx.msk [tilespmem:v11+s5+$0x0], $0xffff  }
0x2e8: {  	[tilespmem:s6+$0xFFFFFE70] =	vst v7;
	v3 =	vld.idx.msk [tilespmem:v12+s5+$0x0], $0xffff  }
0x2e9: {  	s11 =	simm.s32 $0x0;
	[tilespmem:s6+$0xFFFFFE00] =	vst v15;
	v4 =	vld.idx.msk [tilespmem:v13+s5+$0x0], $0xffff  }
0x2ea: {  	s22 =	simm.s32 $0x4F00;
	s13 =	simm.s32 $0xCB80;
	s18 =	simm.s32 $0x4B80;
	[tilespmem:s6+$0x0] =	vst v8;
	v5 =	vld.idx.msk [tilespmem:v14+s5+$0x0], $0xffff  }
.LBB2_27:
0x2eb: {  	v6 =	vld [tilespmem:s22+$0x70];
	s11 =	sadd.s32 $0x100, s11;
	[tilespmem:s6+$0x10] =	vst v0  }
0x2ec: {  	v0 =	vld [tilespmem:s22+$0xFFFFFE10];
	p3 =	slt.u32 s11, $0x700;
	[tilespmem:s6+$0x20] =	vst v1  }
0x2ed: {  	v1 =	vld [tilespmem:s22+$0xFFFFFE20];
	[tilespmem:s6+$0x30] =	vst v2  }
0x2ee: {  	v2 =	vld [tilespmem:s22+$0xFFFFFE30];
	[tilespmem:s6+$0x40] =	vst v3  }
0x2ef: {  	v3 =	vld [tilespmem:s22+$0xFFFFFE40];
	[tilespmem:s6+$0x50] =	vst v4  }
0x2f0: {  	v4 =	vld [tilespmem:s22+$0xFFFFFE50];
	[tilespmem:s6+$0x60] =	vst v5  }
0x2f1: {  	v5 =	vld [tilespmem:s22+$0xFFFFFE60]  }
0x2f2: {  	v7 =	vld [tilespmem:s22+$0xFFFFFE70]  }
0x2f3: {  	v6 =	vld.idx.msk [tilespmem:v6+s5+$0x0], $0xffff  }
0x2f4: {  	v8 =	vld [tilespmem:s22+$0x0]  }
0x2f5: {  	v9 =	vld [tilespmem:s22+$0x10]  }
0x2f6: {  	v10 =	vld [tilespmem:s22+$0x20]  }
0x2f7: {  	v11 =	vld [tilespmem:s22+$0x30]  }
0x2f8: {  	s6 =	sadd.s32 $0x400, s6;
	v12 =	vld [tilespmem:s22+$0x40]  }
0x2f9: {  	v13 =	vld [tilespmem:s22+$0x50];
	[tilespmem:s6+$0x70] =	vst v6  }
0x2fa: {  	v6 =	vld [tilespmem:s22+$0x60]  }
0x2fb: {  	v14 =	vld [tilespmem:s22+$0xFFFFFE00]  }
0x2fc: {  	v0 =	vld.idx.msk [tilespmem:v0+s5+$0x0], $0xffff  }
0x2fd: {  	v1 =	vld.idx.msk [tilespmem:v1+s5+$0x0], $0xffff  }
0x2fe: {  	v2 =	vld.idx.msk [tilespmem:v2+s5+$0x0], $0xffff  }
0x2ff: {  	v3 =	vld.idx.msk [tilespmem:v3+s5+$0x0], $0xffff  }
0x300: {  	v4 =	vld.idx.msk [tilespmem:v4+s5+$0x0], $0xffff  }
0x301: {  	v5 =	vld.idx.msk [tilespmem:v5+s5+$0x0], $0xffff  }
0x302: {  	[tilespmem:s6+$0xFFFFFE10] =	vst v0;
	v7 =	vld.idx.msk [tilespmem:v7+s5+$0x0], $0xffff  }
0x303: {  	v14 =	vld.idx.msk [tilespmem:v14+s5+$0x0], $0xffff;
	[tilespmem:s6+$0xFFFFFE20] =	vst v1  }
0x304: {  	[tilespmem:s6+$0xFFFFFE30] =	vst v2;
	v8 =	vld.idx.msk [tilespmem:v8+s5+$0x0], $0xffff  }
0x305: {  	[tilespmem:s6+$0xFFFFFE40] =	vst v3;
	v0 =	vld.idx.msk [tilespmem:v9+s5+$0x0], $0xffff  }
.Ltmp13:
0x306: {  	[tilespmem:s6+$0xFFFFFE50] =	vst v4;
	v1 =	vld.idx.msk [tilespmem:v10+s5+$0x0], $0xffff;
	(pc) =	sbr.rel @p3 .LBB2_27-.Ltmp13, $4  }
0x307: {  	[tilespmem:s6+$0xFFFFFE60] =	vst v5;
	v2 =	vld.idx.msk [tilespmem:v11+s5+$0x0], $0xffff  }
0x308: {  	[tilespmem:s6+$0xFFFFFE70] =	vst v7;
	v3 =	vld.idx.msk [tilespmem:v12+s5+$0x0], $0xffff  }
0x309: {  	[tilespmem:s6+$0xFFFFFE00] =	vst v14;
	v4 =	vld.idx.msk [tilespmem:v13+s5+$0x0], $0xffff  }
0x30a: {  	s22 =	sadd.s32 $0x400, s22;
	[tilespmem:s6+$0x0] =	vst v8;
	v5 =	vld.idx.msk [tilespmem:v6+s5+$0x0], $0xffff  }
0x30b: {  	[tilespmem:s6+$0x10] =	vst v0  }
0x30c: {  	[tilespmem:s6+$0x20] =	vst v1  }
0x30d: {  	[tilespmem:s6+$0x30] =	vst v2  }
0x30e: {  	[tilespmem:s6+$0x40] =	vst v3  }
0x30f: {  	[tilespmem:s6+$0x50] =	vst v4  }
0x310: {  	[tilespmem:s6+$0x60] =	vst v5  }
0x311: {  	v0 =	vld [tilespmem:s18+$0x70]  }
0x312: {  	v1 =	vld [tilespmem:s18+$0xFFFFFE10]  }
0x313: {  	v2 =	vld [tilespmem:s18+$0xFFFFFE20]  }
0x314: {  	v3 =	vld [tilespmem:s18+$0xFFFFFE30]  }
0x315: {  	v4 =	vld [tilespmem:s18+$0xFFFFFE40]  }
0x316: {  	v5 =	vld [tilespmem:s18+$0xFFFFFE50]  }
0x317: {  	v6 =	vld [tilespmem:s18+$0xFFFFFE60]  }
0x318: {  	v7 =	vld [tilespmem:s18+$0xFFFFFE70]  }
0x319: {  	v8 =	vld [tilespmem:s18+$0x0]  }
0x31a: {  	v9 =	vld [tilespmem:s18+$0x10]  }
0x31b: {  	v10 =	vld [tilespmem:s18+$0x20]  }
0x31c: {  	v11 =	vld [tilespmem:s18+$0x30]  }
0x31d: {  	v12 =	vld [tilespmem:s18+$0x40]  }
0x31e: {  	v13 =	vld [tilespmem:s18+$0x50]  }
0x31f: {  	v14 =	vld [tilespmem:s18+$0x60]  }
0x320: {  	v15 =	vld [tilespmem:s18+$0xFFFFFE00]  }
0x321: {  	v0 =	vld.idx.msk [tilespmem:v0+s5+$0x0], $0xffff  }
0x322: {  	v1 =	vld.idx.msk [tilespmem:v1+s5+$0x0], $0xffff  }
0x323: {  	v2 =	vld.idx.msk [tilespmem:v2+s5+$0x0], $0xffff  }
0x324: {  	v3 =	vld.idx.msk [tilespmem:v3+s5+$0x0], $0xffff  }
0x325: {  	v4 =	vld.idx.msk [tilespmem:v4+s5+$0x0], $0xffff  }
0x326: {  	v5 =	vld.idx.msk [tilespmem:v5+s5+$0x0], $0xffff  }
0x327: {  	v6 =	vld.idx.msk [tilespmem:v6+s5+$0x0], $0xffff;
	[tilespmem:s13+$0x70] =	vst v0  }
0x328: {  	v7 =	vld.idx.msk [tilespmem:v7+s5+$0x0], $0xffff;
	[tilespmem:s13+$0xFFFFFE10] =	vst v1  }
0x329: {  	v15 =	vld.idx.msk [tilespmem:v15+s5+$0x0], $0xffff;
	[tilespmem:s13+$0xFFFFFE20] =	vst v2  }
0x32a: {  	v8 =	vld.idx.msk [tilespmem:v8+s5+$0x0], $0xffff;
	[tilespmem:s13+$0xFFFFFE30] =	vst v3  }
0x32b: {  	[tilespmem:s13+$0xFFFFFE40] =	vst v4;
	v0 =	vld.idx.msk [tilespmem:v9+s5+$0x0], $0xffff  }
0x32c: {  	[tilespmem:s13+$0xFFFFFE50] =	vst v5;
	v1 =	vld.idx.msk [tilespmem:v10+s5+$0x0], $0xffff  }
0x32d: {  	[tilespmem:s13+$0xFFFFFE60] =	vst v6;
	v2 =	vld.idx.msk [tilespmem:v11+s5+$0x0], $0xffff  }
0x32e: {  	[tilespmem:s13+$0xFFFFFE70] =	vst v7;
	v3 =	vld.idx.msk [tilespmem:v12+s5+$0x0], $0xffff  }
0x32f: {  	s11 =	simm.s32 $0x0;
	[tilespmem:s13+$0xFFFFFE00] =	vst v15;
	v4 =	vld.idx.msk [tilespmem:v13+s5+$0x0], $0xffff  }
0x330: {  	s22 =	simm.s32 $0x4F80;
	s6 =	simm.s32 $0xCC00;
	s18 =	simm.s32 $0x4C00;
	[tilespmem:s13+$0x0] =	vst v8;
	v5 =	vld.idx.msk [tilespmem:v14+s5+$0x0], $0xffff  }
.LBB2_29:
0x331: {  	v6 =	vld [tilespmem:s22+$0x70];
	s11 =	sadd.s32 $0x100, s11;
	[tilespmem:s13+$0x10] =	vst v0  }
0x332: {  	v0 =	vld [tilespmem:s22+$0xFFFFFE10];
	p3 =	slt.u32 s11, $0x700;
	[tilespmem:s13+$0x20] =	vst v1  }
0x333: {  	v1 =	vld [tilespmem:s22+$0xFFFFFE20];
	[tilespmem:s13+$0x30] =	vst v2  }
0x334: {  	v2 =	vld [tilespmem:s22+$0xFFFFFE30];
	[tilespmem:s13+$0x40] =	vst v3  }
0x335: {  	v3 =	vld [tilespmem:s22+$0xFFFFFE40];
	[tilespmem:s13+$0x50] =	vst v4  }
0x336: {  	v4 =	vld [tilespmem:s22+$0xFFFFFE50];
	[tilespmem:s13+$0x60] =	vst v5  }
0x337: {  	v5 =	vld [tilespmem:s22+$0xFFFFFE60]  }
0x338: {  	v7 =	vld [tilespmem:s22+$0xFFFFFE70]  }
0x339: {  	v6 =	vld.idx.msk [tilespmem:v6+s5+$0x0], $0xffff  }
0x33a: {  	v8 =	vld [tilespmem:s22+$0x0]  }
0x33b: {  	v9 =	vld [tilespmem:s22+$0x10]  }
0x33c: {  	v10 =	vld [tilespmem:s22+$0x20]  }
0x33d: {  	v11 =	vld [tilespmem:s22+$0x30]  }
0x33e: {  	s13 =	sadd.s32 $0x400, s13;
	v12 =	vld [tilespmem:s22+$0x40]  }
0x33f: {  	v13 =	vld [tilespmem:s22+$0x50];
	[tilespmem:s13+$0x70] =	vst v6  }
0x340: {  	v6 =	vld [tilespmem:s22+$0x60]  }
0x341: {  	v14 =	vld [tilespmem:s22+$0xFFFFFE00]  }
0x342: {  	v0 =	vld.idx.msk [tilespmem:v0+s5+$0x0], $0xffff  }
0x343: {  	v1 =	vld.idx.msk [tilespmem:v1+s5+$0x0], $0xffff  }
0x344: {  	v2 =	vld.idx.msk [tilespmem:v2+s5+$0x0], $0xffff  }
0x345: {  	v3 =	vld.idx.msk [tilespmem:v3+s5+$0x0], $0xffff  }
0x346: {  	v4 =	vld.idx.msk [tilespmem:v4+s5+$0x0], $0xffff  }
0x347: {  	v5 =	vld.idx.msk [tilespmem:v5+s5+$0x0], $0xffff  }
0x348: {  	[tilespmem:s13+$0xFFFFFE10] =	vst v0;
	v7 =	vld.idx.msk [tilespmem:v7+s5+$0x0], $0xffff  }
0x349: {  	v14 =	vld.idx.msk [tilespmem:v14+s5+$0x0], $0xffff;
	[tilespmem:s13+$0xFFFFFE20] =	vst v1  }
0x34a: {  	[tilespmem:s13+$0xFFFFFE30] =	vst v2;
	v8 =	vld.idx.msk [tilespmem:v8+s5+$0x0], $0xffff  }
0x34b: {  	[tilespmem:s13+$0xFFFFFE40] =	vst v3;
	v0 =	vld.idx.msk [tilespmem:v9+s5+$0x0], $0xffff  }
.Ltmp14:
0x34c: {  	[tilespmem:s13+$0xFFFFFE50] =	vst v4;
	v1 =	vld.idx.msk [tilespmem:v10+s5+$0x0], $0xffff;
	(pc) =	sbr.rel @p3 .LBB2_29-.Ltmp14, $4  }
0x34d: {  	[tilespmem:s13+$0xFFFFFE60] =	vst v5;
	v2 =	vld.idx.msk [tilespmem:v11+s5+$0x0], $0xffff  }
0x34e: {  	[tilespmem:s13+$0xFFFFFE70] =	vst v7;
	v3 =	vld.idx.msk [tilespmem:v12+s5+$0x0], $0xffff  }
0x34f: {  	[tilespmem:s13+$0xFFFFFE00] =	vst v14;
	v4 =	vld.idx.msk [tilespmem:v13+s5+$0x0], $0xffff  }
0x350: {  	s22 =	sadd.s32 $0x400, s22;
	[tilespmem:s13+$0x0] =	vst v8;
	v5 =	vld.idx.msk [tilespmem:v6+s5+$0x0], $0xffff  }
0x351: {  	[tilespmem:s13+$0x10] =	vst v0  }
0x352: {  	[tilespmem:s13+$0x20] =	vst v1  }
0x353: {  	[tilespmem:s13+$0x30] =	vst v2  }
0x354: {  	[tilespmem:s13+$0x40] =	vst v3  }
0x355: {  	[tilespmem:s13+$0x50] =	vst v4  }
0x356: {  	[tilespmem:s13+$0x60] =	vst v5  }
0x357: {  	v0 =	vld [tilespmem:s18+$0x70]  }
0x358: {  	v1 =	vld [tilespmem:s18+$0xFFFFFE10]  }
0x359: {  	v2 =	vld [tilespmem:s18+$0xFFFFFE20]  }
0x35a: {  	v3 =	vld [tilespmem:s18+$0xFFFFFE30]  }
0x35b: {  	v4 =	vld [tilespmem:s18+$0xFFFFFE40]  }
0x35c: {  	v5 =	vld [tilespmem:s18+$0xFFFFFE50]  }
0x35d: {  	v6 =	vld [tilespmem:s18+$0xFFFFFE60]  }
0x35e: {  	v7 =	vld [tilespmem:s18+$0xFFFFFE70]  }
0x35f: {  	v8 =	vld [tilespmem:s18+$0x0]  }
0x360: {  	v9 =	vld [tilespmem:s18+$0x10]  }
0x361: {  	v10 =	vld [tilespmem:s18+$0x20]  }
0x362: {  	v11 =	vld [tilespmem:s18+$0x30]  }
0x363: {  	v12 =	vld [tilespmem:s18+$0x40]  }
0x364: {  	v13 =	vld [tilespmem:s18+$0x50]  }
0x365: {  	v14 =	vld [tilespmem:s18+$0x60]  }
0x366: {  	v15 =	vld [tilespmem:s18+$0xFFFFFE00]  }
0x367: {  	v0 =	vld.idx.msk [tilespmem:v0+s5+$0x0], $0xffff  }
0x368: {  	v1 =	vld.idx.msk [tilespmem:v1+s5+$0x0], $0xffff  }
0x369: {  	v2 =	vld.idx.msk [tilespmem:v2+s5+$0x0], $0xffff  }
0x36a: {  	v3 =	vld.idx.msk [tilespmem:v3+s5+$0x0], $0xffff  }
0x36b: {  	v4 =	vld.idx.msk [tilespmem:v4+s5+$0x0], $0xffff  }
0x36c: {  	v5 =	vld.idx.msk [tilespmem:v5+s5+$0x0], $0xffff  }
0x36d: {  	v6 =	vld.idx.msk [tilespmem:v6+s5+$0x0], $0xffff;
	[tilespmem:s6+$0x70] =	vst v0  }
0x36e: {  	v7 =	vld.idx.msk [tilespmem:v7+s5+$0x0], $0xffff;
	[tilespmem:s6+$0xFFFFFE10] =	vst v1  }
0x36f: {  	v15 =	vld.idx.msk [tilespmem:v15+s5+$0x0], $0xffff;
	[tilespmem:s6+$0xFFFFFE20] =	vst v2  }
0x370: {  	v8 =	vld.idx.msk [tilespmem:v8+s5+$0x0], $0xffff;
	[tilespmem:s6+$0xFFFFFE30] =	vst v3  }
0x371: {  	[tilespmem:s6+$0xFFFFFE40] =	vst v4;
	v0 =	vld.idx.msk [tilespmem:v9+s5+$0x0], $0xffff  }
0x372: {  	[tilespmem:s6+$0xFFFFFE50] =	vst v5;
	v1 =	vld.idx.msk [tilespmem:v10+s5+$0x0], $0xffff  }
0x373: {  	[tilespmem:s6+$0xFFFFFE60] =	vst v6;
	v2 =	vld.idx.msk [tilespmem:v11+s5+$0x0], $0xffff  }
0x374: {  	[tilespmem:s6+$0xFFFFFE70] =	vst v7;
	v3 =	vld.idx.msk [tilespmem:v12+s5+$0x0], $0xffff  }
0x375: {  	[tilespmem:s6+$0xFFFFFE00] =	vst v15;
	v4 =	vld.idx.msk [tilespmem:v13+s5+$0x0], $0xffff  }
0x376: {  	s11 =	simm.s32 $0x0;
	s13 =	simm.s32 $0x5000;
	[tilespmem:s6+$0x0] =	vst v8;
	v5 =	vld.idx.msk [tilespmem:v14+s5+$0x0], $0xffff  }
.LBB2_31:
0x377: {  	v6 =	vld [tilespmem:s13+$0x70];
	s11 =	sadd.s32 $0x100, s11;
	[tilespmem:s6+$0x10] =	vst v0  }
0x378: {  	v0 =	vld [tilespmem:s13+$0xFFFFFE10];
	p3 =	slt.u32 s11, $0x700;
	[tilespmem:s6+$0x20] =	vst v1  }
0x379: {  	v1 =	vld [tilespmem:s13+$0xFFFFFE20];
	[tilespmem:s6+$0x30] =	vst v2  }
0x37a: {  	v2 =	vld [tilespmem:s13+$0xFFFFFE30];
	[tilespmem:s6+$0x40] =	vst v3  }
0x37b: {  	v3 =	vld [tilespmem:s13+$0xFFFFFE40];
	[tilespmem:s6+$0x50] =	vst v4  }
0x37c: {  	v4 =	vld [tilespmem:s13+$0xFFFFFE50];
	[tilespmem:s6+$0x60] =	vst v5  }
0x37d: {  	v5 =	vld [tilespmem:s13+$0xFFFFFE60]  }
0x37e: {  	v7 =	vld [tilespmem:s13+$0xFFFFFE70]  }
0x37f: {  	v6 =	vld.idx.msk [tilespmem:v6+s5+$0x0], $0xffff  }
0x380: {  	v8 =	vld [tilespmem:s13+$0x0]  }
0x381: {  	v9 =	vld [tilespmem:s13+$0x10]  }
0x382: {  	v10 =	vld [tilespmem:s13+$0x20]  }
0x383: {  	v11 =	vld [tilespmem:s13+$0x30]  }
0x384: {  	s6 =	sadd.s32 $0x400, s6;
	v12 =	vld [tilespmem:s13+$0x40]  }
0x385: {  	v13 =	vld [tilespmem:s13+$0x50];
	[tilespmem:s6+$0x70] =	vst v6  }
0x386: {  	v6 =	vld [tilespmem:s13+$0x60]  }
0x387: {  	v14 =	vld [tilespmem:s13+$0xFFFFFE00]  }
0x388: {  	v0 =	vld.idx.msk [tilespmem:v0+s5+$0x0], $0xffff  }
0x389: {  	v1 =	vld.idx.msk [tilespmem:v1+s5+$0x0], $0xffff  }
0x38a: {  	v2 =	vld.idx.msk [tilespmem:v2+s5+$0x0], $0xffff  }
0x38b: {  	v3 =	vld.idx.msk [tilespmem:v3+s5+$0x0], $0xffff  }
0x38c: {  	v4 =	vld.idx.msk [tilespmem:v4+s5+$0x0], $0xffff  }
0x38d: {  	v5 =	vld.idx.msk [tilespmem:v5+s5+$0x0], $0xffff  }
0x38e: {  	[tilespmem:s6+$0xFFFFFE10] =	vst v0;
	v7 =	vld.idx.msk [tilespmem:v7+s5+$0x0], $0xffff  }
0x38f: {  	v14 =	vld.idx.msk [tilespmem:v14+s5+$0x0], $0xffff;
	[tilespmem:s6+$0xFFFFFE20] =	vst v1  }
0x390: {  	[tilespmem:s6+$0xFFFFFE30] =	vst v2;
	v8 =	vld.idx.msk [tilespmem:v8+s5+$0x0], $0xffff  }
0x391: {  	[tilespmem:s6+$0xFFFFFE40] =	vst v3;
	v0 =	vld.idx.msk [tilespmem:v9+s5+$0x0], $0xffff  }
.Ltmp15:
0x392: {  	[tilespmem:s6+$0xFFFFFE50] =	vst v4;
	v1 =	vld.idx.msk [tilespmem:v10+s5+$0x0], $0xffff;
	(pc) =	sbr.rel @p3 .LBB2_31-.Ltmp15, $4  }
0x393: {  	[tilespmem:s6+$0xFFFFFE60] =	vst v5;
	v2 =	vld.idx.msk [tilespmem:v11+s5+$0x0], $0xffff  }
0x394: {  	[tilespmem:s6+$0xFFFFFE70] =	vst v7;
	v3 =	vld.idx.msk [tilespmem:v12+s5+$0x0], $0xffff  }
0x395: {  	[tilespmem:s6+$0xFFFFFE00] =	vst v14;
	v4 =	vld.idx.msk [tilespmem:v13+s5+$0x0], $0xffff  }
0x396: {  	s13 =	sadd.s32 $0x400, s13;
	[tilespmem:s6+$0x0] =	vst v8;
	v5 =	vld.idx.msk [tilespmem:v6+s5+$0x0], $0xffff  }
0x397: {  	[tilespmem:s6+$0x10] =	vst v0  }
0x398: {  	[tilespmem:s6+$0x20] =	vst v1  }
.Ltmp16:
0x399: {  	[tilespmem:s6+$0x30] =	vst v2;
	(pc) =	sbr.rel @p2 .LBB2_34-.Ltmp16, $4  }
0x39a: {  	s10 =	sshll.u32 s10, $0x8;
	[tilespmem:s6+$0x40] =	vst v3  }
0x39b: {  	s10 =	sor.u32 $0x800, s10;
	[tilespmem:s6+$0x50] =	vst v4  }
0x39c: {  	s25 =	sadd.s32 s3, s10;
	[tilespmem:s6+$0x60] =	vst v5  }
0x39d: {  	[hbm4b:s25+s20] =	stream.strided.scatter [tilespmem:s4], [sflag:$0x7], $0x2000, s21, s20, $0x38;
	[tilespmem:$0x10880] =	vst v63  }
.Ltmp17:
0x39e: {  	(pc) =	sbr.rel .LBB2_35-.Ltmp17, $4  }
0x39f: {  	_ = 	snop  }
0x3a0: {  	_ =	swait.ge [sflag:s2], $0x2000  }
0x3a1: {  	[sflag:s2] =	ssyncset.done $0x0  }
0x3a2: {  	[sflag:s2] =	ssyncadd.s32 $0xFFFFE000  }
.LBB2_34:
0x3a3: {  	s6 =	sadd.s32 s12, s16  }
0x3a4: {  	s6 =	sshll.u32 s6, $0x8  }
.Ltmp18:
0x3a5: {  	s6 =	sadd.s32 s1, s6;
	(pc) =	sbr.rel @p0 .LBB2_36-.Ltmp18, $4  }
0x3a6: {  	[tilespmem:s24], [sflag:$0x3] =	stream.strided.gather [hbm4b:s6+s20], $0x2000, s21, s20, $0x38;
	[tilespmem:$0x10880] =	vst v63  }
0x3a7: {  	_ =	swait.ge [sflag:s2], $0x2000  }
0x3a8: {  	[sflag:s2] =	ssyncset.done $0x0  }
0x3a9: {  	[sflag:s2] =	ssyncadd.s32 $0xFFFFE000  }
.LBB2_35:
0x3aa: {  	_ =	swait.ge [sflag:s19], $0x2000  }
0x3ab: {  	[sflag:s19] =	ssyncset.done $0x0  }
0x3ac: {  	[sflag:s19] =	ssyncadd.s32 $0xFFFFE000  }
.LBB2_36:
0x3ad: {  	s6 =	simm.s32 $0x6A80  }
0x3ae: {  	v0 =	vld [tilespmem:s6+$0x70]  }
0x3af: {  	v1 =	vld [tilespmem:s6+$0xFFFFFE10]  }
0x3b0: {  	v2 =	vld [tilespmem:s6+$0xFFFFFE20]  }
0x3b1: {  	v3 =	vld [tilespmem:s6+$0xFFFFFE30]  }
0x3b2: {  	v4 =	vld [tilespmem:s6+$0xFFFFFE40]  }
0x3b3: {  	v5 =	vld [tilespmem:s6+$0xFFFFFE50]  }
0x3b4: {  	v6 =	vld [tilespmem:s6+$0xFFFFFE60]  }
0x3b5: {  	v7 =	vld [tilespmem:s6+$0xFFFFFE70]  }
0x3b6: {  	v8 =	vld [tilespmem:s6+$0x0]  }
0x3b7: {  	v9 =	vld [tilespmem:s6+$0x10]  }
0x3b8: {  	v10 =	vld [tilespmem:s6+$0x20]  }
0x3b9: {  	v11 =	vld [tilespmem:s6+$0x30]  }
0x3ba: {  	v12 =	vld [tilespmem:s6+$0x40]  }
0x3bb: {  	v13 =	vld [tilespmem:s6+$0x50]  }
0x3bc: {  	v14 =	vld [tilespmem:s6+$0x60]  }
0x3bd: {  	v15 =	vld [tilespmem:s6+$0xFFFFFE00]  }
0x3be: {  	v0 =	vld.idx.msk [tilespmem:v0+s5+$0x0], $0xffff  }
0x3bf: {  	v1 =	vld.idx.msk [tilespmem:v1+s5+$0x0], $0xffff  }
0x3c0: {  	v2 =	vld.idx.msk [tilespmem:v2+s5+$0x0], $0xffff  }
0x3c1: {  	v3 =	vld.idx.msk [tilespmem:v3+s5+$0x0], $0xffff  }
0x3c2: {  	v4 =	vld.idx.msk [tilespmem:v4+s5+$0x0], $0xffff  }
0x3c3: {  	s13 =	simm.s32 $0xEA80;
	v5 =	vld.idx.msk [tilespmem:v5+s5+$0x0], $0xffff  }
0x3c4: {  	v6 =	vld.idx.msk [tilespmem:v6+s5+$0x0], $0xffff;
	[tilespmem:s13+$0x70] =	vst v0  }
0x3c5: {  	v7 =	vld.idx.msk [tilespmem:v7+s5+$0x0], $0xffff;
	[tilespmem:s13+$0xFFFFFE10] =	vst v1  }
0x3c6: {  	v15 =	vld.idx.msk [tilespmem:v15+s5+$0x0], $0xffff;
	[tilespmem:s13+$0xFFFFFE20] =	vst v2  }
0x3c7: {  	v8 =	vld.idx.msk [tilespmem:v8+s5+$0x0], $0xffff;
	[tilespmem:s13+$0xFFFFFE30] =	vst v3  }
0x3c8: {  	[tilespmem:s13+$0xFFFFFE40] =	vst v4;
	v0 =	vld.idx.msk [tilespmem:v9+s5+$0x0], $0xffff  }
0x3c9: {  	[tilespmem:s13+$0xFFFFFE50] =	vst v5;
	v1 =	vld.idx.msk [tilespmem:v10+s5+$0x0], $0xffff  }
0x3ca: {  	[tilespmem:s13+$0xFFFFFE60] =	vst v6;
	v2 =	vld.idx.msk [tilespmem:v11+s5+$0x0], $0xffff  }
0x3cb: {  	[tilespmem:s13+$0xFFFFFE70] =	vst v7;
	v3 =	vld.idx.msk [tilespmem:v12+s5+$0x0], $0xffff  }
0x3cc: {  	s11 =	simm.s32 $0x0;
	[tilespmem:s13+$0xFFFFFE00] =	vst v15;
	v4 =	vld.idx.msk [tilespmem:v13+s5+$0x0], $0xffff  }
0x3cd: {  	s18 =	simm.s32 $0x6B00;
	s22 =	simm.s32 $0x6E80;
	s6 =	simm.s32 $0xEB00;
	[tilespmem:s13+$0x0] =	vst v8;
	v5 =	vld.idx.msk [tilespmem:v14+s5+$0x0], $0xffff  }
.LBB2_37:
0x3ce: {  	v6 =	vld [tilespmem:s22+$0x70];
	s11 =	sadd.s32 $0x100, s11;
	[tilespmem:s13+$0x10] =	vst v0  }
0x3cf: {  	v0 =	vld [tilespmem:s22+$0xFFFFFE10];
	p0 =	slt.u32 s11, $0x700;
	[tilespmem:s13+$0x20] =	vst v1  }
0x3d0: {  	v1 =	vld [tilespmem:s22+$0xFFFFFE20];
	[tilespmem:s13+$0x30] =	vst v2  }
0x3d1: {  	v2 =	vld [tilespmem:s22+$0xFFFFFE30];
	[tilespmem:s13+$0x40] =	vst v3  }
0x3d2: {  	v3 =	vld [tilespmem:s22+$0xFFFFFE40];
	[tilespmem:s13+$0x50] =	vst v4  }
0x3d3: {  	v4 =	vld [tilespmem:s22+$0xFFFFFE50];
	[tilespmem:s13+$0x60] =	vst v5  }
0x3d4: {  	v5 =	vld [tilespmem:s22+$0xFFFFFE60]  }
0x3d5: {  	v7 =	vld [tilespmem:s22+$0xFFFFFE70]  }
0x3d6: {  	v6 =	vld.idx.msk [tilespmem:v6+s5+$0x0], $0xffff  }
0x3d7: {  	v8 =	vld [tilespmem:s22+$0x0]  }
0x3d8: {  	v9 =	vld [tilespmem:s22+$0x10]  }
0x3d9: {  	v10 =	vld [tilespmem:s22+$0x20]  }
0x3da: {  	v11 =	vld [tilespmem:s22+$0x30]  }
0x3db: {  	s13 =	sadd.s32 $0x400, s13;
	v12 =	vld [tilespmem:s22+$0x40]  }
0x3dc: {  	v13 =	vld [tilespmem:s22+$0x50];
	[tilespmem:s13+$0x70] =	vst v6  }
0x3dd: {  	v6 =	vld [tilespmem:s22+$0x60]  }
0x3de: {  	v14 =	vld [tilespmem:s22+$0xFFFFFE00]  }
0x3df: {  	v0 =	vld.idx.msk [tilespmem:v0+s5+$0x0], $0xffff  }
0x3e0: {  	v1 =	vld.idx.msk [tilespmem:v1+s5+$0x0], $0xffff  }
0x3e1: {  	v2 =	vld.idx.msk [tilespmem:v2+s5+$0x0], $0xffff  }
0x3e2: {  	v3 =	vld.idx.msk [tilespmem:v3+s5+$0x0], $0xffff  }
0x3e3: {  	v4 =	vld.idx.msk [tilespmem:v4+s5+$0x0], $0xffff  }
0x3e4: {  	v5 =	vld.idx.msk [tilespmem:v5+s5+$0x0], $0xffff  }
0x3e5: {  	[tilespmem:s13+$0xFFFFFE10] =	vst v0;
	v7 =	vld.idx.msk [tilespmem:v7+s5+$0x0], $0xffff  }
0x3e6: {  	v14 =	vld.idx.msk [tilespmem:v14+s5+$0x0], $0xffff;
	[tilespmem:s13+$0xFFFFFE20] =	vst v1  }
0x3e7: {  	[tilespmem:s13+$0xFFFFFE30] =	vst v2;
	v8 =	vld.idx.msk [tilespmem:v8+s5+$0x0], $0xffff  }
0x3e8: {  	[tilespmem:s13+$0xFFFFFE40] =	vst v3;
	v0 =	vld.idx.msk [tilespmem:v9+s5+$0x0], $0xffff  }
.Ltmp19:
0x3e9: {  	[tilespmem:s13+$0xFFFFFE50] =	vst v4;
	v1 =	vld.idx.msk [tilespmem:v10+s5+$0x0], $0xffff;
	(pc) =	sbr.rel @p0 .LBB2_37-.Ltmp19, $4  }
0x3ea: {  	[tilespmem:s13+$0xFFFFFE60] =	vst v5;
	v2 =	vld.idx.msk [tilespmem:v11+s5+$0x0], $0xffff  }
0x3eb: {  	[tilespmem:s13+$0xFFFFFE70] =	vst v7;
	v3 =	vld.idx.msk [tilespmem:v12+s5+$0x0], $0xffff  }
0x3ec: {  	[tilespmem:s13+$0xFFFFFE00] =	vst v14;
	v4 =	vld.idx.msk [tilespmem:v13+s5+$0x0], $0xffff  }
0x3ed: {  	s22 =	sadd.s32 $0x400, s22;
	[tilespmem:s13+$0x0] =	vst v8;
	v5 =	vld.idx.msk [tilespmem:v6+s5+$0x0], $0xffff  }
0x3ee: {  	[tilespmem:s13+$0x10] =	vst v0  }
0x3ef: {  	[tilespmem:s13+$0x20] =	vst v1  }
0x3f0: {  	[tilespmem:s13+$0x30] =	vst v2  }
0x3f1: {  	[tilespmem:s13+$0x40] =	vst v3  }
0x3f2: {  	[tilespmem:s13+$0x50] =	vst v4  }
0x3f3: {  	[tilespmem:s13+$0x60] =	vst v5  }
0x3f4: {  	v0 =	vld [tilespmem:s18+$0x70]  }
0x3f5: {  	v1 =	vld [tilespmem:s18+$0xFFFFFE10]  }
0x3f6: {  	v2 =	vld [tilespmem:s18+$0xFFFFFE20]  }
0x3f7: {  	v3 =	vld [tilespmem:s18+$0xFFFFFE30]  }
0x3f8: {  	v4 =	vld [tilespmem:s18+$0xFFFFFE40]  }
0x3f9: {  	v5 =	vld [tilespmem:s18+$0xFFFFFE50]  }
0x3fa: {  	v6 =	vld [tilespmem:s18+$0xFFFFFE60]  }
0x3fb: {  	v7 =	vld [tilespmem:s18+$0xFFFFFE70]  }
0x3fc: {  	v8 =	vld [tilespmem:s18+$0x0]  }
0x3fd: {  	v9 =	vld [tilespmem:s18+$0x10]  }
0x3fe: {  	v10 =	vld [tilespmem:s18+$0x20]  }
0x3ff: {  	v11 =	vld [tilespmem:s18+$0x30]  }
0x400: {  	v12 =	vld [tilespmem:s18+$0x40]  }
0x401: {  	v13 =	vld [tilespmem:s18+$0x50]  }
0x402: {  	v14 =	vld [tilespmem:s18+$0x60]  }
0x403: {  	v15 =	vld [tilespmem:s18+$0xFFFFFE00]  }
0x404: {  	v0 =	vld.idx.msk [tilespmem:v0+s5+$0x0], $0xffff  }
0x405: {  	v1 =	vld.idx.msk [tilespmem:v1+s5+$0x0], $0xffff  }
0x406: {  	v2 =	vld.idx.msk [tilespmem:v2+s5+$0x0], $0xffff  }
0x407: {  	v3 =	vld.idx.msk [tilespmem:v3+s5+$0x0], $0xffff  }
0x408: {  	v4 =	vld.idx.msk [tilespmem:v4+s5+$0x0], $0xffff  }
0x409: {  	v5 =	vld.idx.msk [tilespmem:v5+s5+$0x0], $0xffff  }
0x40a: {  	v6 =	vld.idx.msk [tilespmem:v6+s5+$0x0], $0xffff;
	[tilespmem:s6+$0x70] =	vst v0  }
0x40b: {  	v7 =	vld.idx.msk [tilespmem:v7+s5+$0x0], $0xffff;
	[tilespmem:s6+$0xFFFFFE10] =	vst v1  }
0x40c: {  	v15 =	vld.idx.msk [tilespmem:v15+s5+$0x0], $0xffff;
	[tilespmem:s6+$0xFFFFFE20] =	vst v2  }
0x40d: {  	v8 =	vld.idx.msk [tilespmem:v8+s5+$0x0], $0xffff;
	[tilespmem:s6+$0xFFFFFE30] =	vst v3  }
0x40e: {  	[tilespmem:s6+$0xFFFFFE40] =	vst v4;
	v0 =	vld.idx.msk [tilespmem:v9+s5+$0x0], $0xffff  }
0x40f: {  	[tilespmem:s6+$0xFFFFFE50] =	vst v5;
	v1 =	vld.idx.msk [tilespmem:v10+s5+$0x0], $0xffff  }
0x410: {  	[tilespmem:s6+$0xFFFFFE60] =	vst v6;
	v2 =	vld.idx.msk [tilespmem:v11+s5+$0x0], $0xffff  }
0x411: {  	[tilespmem:s6+$0xFFFFFE70] =	vst v7;
	v3 =	vld.idx.msk [tilespmem:v12+s5+$0x0], $0xffff  }
0x412: {  	s11 =	simm.s32 $0x0;
	[tilespmem:s6+$0xFFFFFE00] =	vst v15;
	v4 =	vld.idx.msk [tilespmem:v13+s5+$0x0], $0xffff  }
0x413: {  	s22 =	simm.s32 $0x6F00;
	s13 =	simm.s32 $0xEB80;
	s18 =	simm.s32 $0x6B80;
	[tilespmem:s6+$0x0] =	vst v8;
	v5 =	vld.idx.msk [tilespmem:v14+s5+$0x0], $0xffff  }
.LBB2_39:
0x414: {  	v6 =	vld [tilespmem:s22+$0x70];
	s11 =	sadd.s32 $0x100, s11;
	[tilespmem:s6+$0x10] =	vst v0  }
0x415: {  	v0 =	vld [tilespmem:s22+$0xFFFFFE10];
	p0 =	slt.u32 s11, $0x700;
	[tilespmem:s6+$0x20] =	vst v1  }
0x416: {  	v1 =	vld [tilespmem:s22+$0xFFFFFE20];
	[tilespmem:s6+$0x30] =	vst v2  }
0x417: {  	v2 =	vld [tilespmem:s22+$0xFFFFFE30];
	[tilespmem:s6+$0x40] =	vst v3  }
0x418: {  	v3 =	vld [tilespmem:s22+$0xFFFFFE40];
	[tilespmem:s6+$0x50] =	vst v4  }
0x419: {  	v4 =	vld [tilespmem:s22+$0xFFFFFE50];
	[tilespmem:s6+$0x60] =	vst v5  }
0x41a: {  	v5 =	vld [tilespmem:s22+$0xFFFFFE60]  }
0x41b: {  	v7 =	vld [tilespmem:s22+$0xFFFFFE70]  }
0x41c: {  	v6 =	vld.idx.msk [tilespmem:v6+s5+$0x0], $0xffff  }
0x41d: {  	v8 =	vld [tilespmem:s22+$0x0]  }
0x41e: {  	v9 =	vld [tilespmem:s22+$0x10]  }
0x41f: {  	v10 =	vld [tilespmem:s22+$0x20]  }
0x420: {  	v11 =	vld [tilespmem:s22+$0x30]  }
0x421: {  	s6 =	sadd.s32 $0x400, s6;
	v12 =	vld [tilespmem:s22+$0x40]  }
0x422: {  	v13 =	vld [tilespmem:s22+$0x50];
	[tilespmem:s6+$0x70] =	vst v6  }
0x423: {  	v6 =	vld [tilespmem:s22+$0x60]  }
0x424: {  	v14 =	vld [tilespmem:s22+$0xFFFFFE00]  }
0x425: {  	v0 =	vld.idx.msk [tilespmem:v0+s5+$0x0], $0xffff  }
0x426: {  	v1 =	vld.idx.msk [tilespmem:v1+s5+$0x0], $0xffff  }
0x427: {  	v2 =	vld.idx.msk [tilespmem:v2+s5+$0x0], $0xffff  }
0x428: {  	v3 =	vld.idx.msk [tilespmem:v3+s5+$0x0], $0xffff  }
0x429: {  	v4 =	vld.idx.msk [tilespmem:v4+s5+$0x0], $0xffff  }
0x42a: {  	v5 =	vld.idx.msk [tilespmem:v5+s5+$0x0], $0xffff  }
0x42b: {  	[tilespmem:s6+$0xFFFFFE10] =	vst v0;
	v7 =	vld.idx.msk [tilespmem:v7+s5+$0x0], $0xffff  }
0x42c: {  	v14 =	vld.idx.msk [tilespmem:v14+s5+$0x0], $0xffff;
	[tilespmem:s6+$0xFFFFFE20] =	vst v1  }
0x42d: {  	[tilespmem:s6+$0xFFFFFE30] =	vst v2;
	v8 =	vld.idx.msk [tilespmem:v8+s5+$0x0], $0xffff  }
0x42e: {  	[tilespmem:s6+$0xFFFFFE40] =	vst v3;
	v0 =	vld.idx.msk [tilespmem:v9+s5+$0x0], $0xffff  }
.Ltmp20:
0x42f: {  	[tilespmem:s6+$0xFFFFFE50] =	vst v4;
	v1 =	vld.idx.msk [tilespmem:v10+s5+$0x0], $0xffff;
	(pc) =	sbr.rel @p0 .LBB2_39-.Ltmp20, $4  }
0x430: {  	[tilespmem:s6+$0xFFFFFE60] =	vst v5;
	v2 =	vld.idx.msk [tilespmem:v11+s5+$0x0], $0xffff  }
0x431: {  	[tilespmem:s6+$0xFFFFFE70] =	vst v7;
	v3 =	vld.idx.msk [tilespmem:v12+s5+$0x0], $0xffff  }
0x432: {  	[tilespmem:s6+$0xFFFFFE00] =	vst v14;
	v4 =	vld.idx.msk [tilespmem:v13+s5+$0x0], $0xffff  }
0x433: {  	s22 =	sadd.s32 $0x400, s22;
	[tilespmem:s6+$0x0] =	vst v8;
	v5 =	vld.idx.msk [tilespmem:v6+s5+$0x0], $0xffff  }
0x434: {  	[tilespmem:s6+$0x10] =	vst v0  }
0x435: {  	[tilespmem:s6+$0x20] =	vst v1  }
0x436: {  	[tilespmem:s6+$0x30] =	vst v2  }
0x437: {  	[tilespmem:s6+$0x40] =	vst v3  }
0x438: {  	[tilespmem:s6+$0x50] =	vst v4  }
0x439: {  	[tilespmem:s6+$0x60] =	vst v5  }
0x43a: {  	v0 =	vld [tilespmem:s18+$0x70]  }
0x43b: {  	v1 =	vld [tilespmem:s18+$0xFFFFFE10]  }
0x43c: {  	v2 =	vld [tilespmem:s18+$0xFFFFFE20]  }
0x43d: {  	v3 =	vld [tilespmem:s18+$0xFFFFFE30]  }
0x43e: {  	v4 =	vld [tilespmem:s18+$0xFFFFFE40]  }
0x43f: {  	v5 =	vld [tilespmem:s18+$0xFFFFFE50]  }
0x440: {  	v6 =	vld [tilespmem:s18+$0xFFFFFE60]  }
0x441: {  	v7 =	vld [tilespmem:s18+$0xFFFFFE70]  }
0x442: {  	v8 =	vld [tilespmem:s18+$0x0]  }
0x443: {  	v9 =	vld [tilespmem:s18+$0x10]  }
0x444: {  	v10 =	vld [tilespmem:s18+$0x20]  }
0x445: {  	v11 =	vld [tilespmem:s18+$0x30]  }
0x446: {  	v12 =	vld [tilespmem:s18+$0x40]  }
0x447: {  	v13 =	vld [tilespmem:s18+$0x50]  }
0x448: {  	v14 =	vld [tilespmem:s18+$0x60]  }
0x449: {  	v15 =	vld [tilespmem:s18+$0xFFFFFE00]  }
0x44a: {  	v0 =	vld.idx.msk [tilespmem:v0+s5+$0x0], $0xffff  }
0x44b: {  	v1 =	vld.idx.msk [tilespmem:v1+s5+$0x0], $0xffff  }
0x44c: {  	v2 =	vld.idx.msk [tilespmem:v2+s5+$0x0], $0xffff  }
0x44d: {  	v3 =	vld.idx.msk [tilespmem:v3+s5+$0x0], $0xffff  }
0x44e: {  	v4 =	vld.idx.msk [tilespmem:v4+s5+$0x0], $0xffff  }
0x44f: {  	v5 =	vld.idx.msk [tilespmem:v5+s5+$0x0], $0xffff  }
0x450: {  	v6 =	vld.idx.msk [tilespmem:v6+s5+$0x0], $0xffff;
	[tilespmem:s13+$0x70] =	vst v0  }
0x451: {  	v7 =	vld.idx.msk [tilespmem:v7+s5+$0x0], $0xffff;
	[tilespmem:s13+$0xFFFFFE10] =	vst v1  }
0x452: {  	v15 =	vld.idx.msk [tilespmem:v15+s5+$0x0], $0xffff;
	[tilespmem:s13+$0xFFFFFE20] =	vst v2  }
0x453: {  	v8 =	vld.idx.msk [tilespmem:v8+s5+$0x0], $0xffff;
	[tilespmem:s13+$0xFFFFFE30] =	vst v3  }
0x454: {  	[tilespmem:s13+$0xFFFFFE40] =	vst v4;
	v0 =	vld.idx.msk [tilespmem:v9+s5+$0x0], $0xffff  }
0x455: {  	[tilespmem:s13+$0xFFFFFE50] =	vst v5;
	v1 =	vld.idx.msk [tilespmem:v10+s5+$0x0], $0xffff  }
0x456: {  	[tilespmem:s13+$0xFFFFFE60] =	vst v6;
	v2 =	vld.idx.msk [tilespmem:v11+s5+$0x0], $0xffff  }
0x457: {  	[tilespmem:s13+$0xFFFFFE70] =	vst v7;
	v3 =	vld.idx.msk [tilespmem:v12+s5+$0x0], $0xffff  }
0x458: {  	s11 =	simm.s32 $0x0;
	[tilespmem:s13+$0xFFFFFE00] =	vst v15;
	v4 =	vld.idx.msk [tilespmem:v13+s5+$0x0], $0xffff  }
0x459: {  	s22 =	simm.s32 $0x6F80;
	s6 =	simm.s32 $0xEC00;
	s18 =	simm.s32 $0x6C00;
	[tilespmem:s13+$0x0] =	vst v8;
	v5 =	vld.idx.msk [tilespmem:v14+s5+$0x0], $0xffff  }
.LBB2_41:
0x45a: {  	v6 =	vld [tilespmem:s22+$0x70];
	s11 =	sadd.s32 $0x100, s11;
	[tilespmem:s13+$0x10] =	vst v0  }
0x45b: {  	v0 =	vld [tilespmem:s22+$0xFFFFFE10];
	p0 =	slt.u32 s11, $0x700;
	[tilespmem:s13+$0x20] =	vst v1  }
0x45c: {  	v1 =	vld [tilespmem:s22+$0xFFFFFE20];
	[tilespmem:s13+$0x30] =	vst v2  }
0x45d: {  	v2 =	vld [tilespmem:s22+$0xFFFFFE30];
	[tilespmem:s13+$0x40] =	vst v3  }
0x45e: {  	v3 =	vld [tilespmem:s22+$0xFFFFFE40];
	[tilespmem:s13+$0x50] =	vst v4  }
0x45f: {  	v4 =	vld [tilespmem:s22+$0xFFFFFE50];
	[tilespmem:s13+$0x60] =	vst v5  }
0x460: {  	v5 =	vld [tilespmem:s22+$0xFFFFFE60]  }
0x461: {  	v7 =	vld [tilespmem:s22+$0xFFFFFE70]  }
0x462: {  	v6 =	vld.idx.msk [tilespmem:v6+s5+$0x0], $0xffff  }
0x463: {  	v8 =	vld [tilespmem:s22+$0x0]  }
0x464: {  	v9 =	vld [tilespmem:s22+$0x10]  }
0x465: {  	v10 =	vld [tilespmem:s22+$0x20]  }
0x466: {  	v11 =	vld [tilespmem:s22+$0x30]  }
0x467: {  	s13 =	sadd.s32 $0x400, s13;
	v12 =	vld [tilespmem:s22+$0x40]  }
0x468: {  	v13 =	vld [tilespmem:s22+$0x50];
	[tilespmem:s13+$0x70] =	vst v6  }
0x469: {  	v6 =	vld [tilespmem:s22+$0x60]  }
0x46a: {  	v14 =	vld [tilespmem:s22+$0xFFFFFE00]  }
0x46b: {  	v0 =	vld.idx.msk [tilespmem:v0+s5+$0x0], $0xffff  }
0x46c: {  	v1 =	vld.idx.msk [tilespmem:v1+s5+$0x0], $0xffff  }
0x46d: {  	v2 =	vld.idx.msk [tilespmem:v2+s5+$0x0], $0xffff  }
0x46e: {  	v3 =	vld.idx.msk [tilespmem:v3+s5+$0x0], $0xffff  }
0x46f: {  	v4 =	vld.idx.msk [tilespmem:v4+s5+$0x0], $0xffff  }
0x470: {  	v5 =	vld.idx.msk [tilespmem:v5+s5+$0x0], $0xffff  }
0x471: {  	[tilespmem:s13+$0xFFFFFE10] =	vst v0;
	v7 =	vld.idx.msk [tilespmem:v7+s5+$0x0], $0xffff  }
0x472: {  	v14 =	vld.idx.msk [tilespmem:v14+s5+$0x0], $0xffff;
	[tilespmem:s13+$0xFFFFFE20] =	vst v1  }
0x473: {  	[tilespmem:s13+$0xFFFFFE30] =	vst v2;
	v8 =	vld.idx.msk [tilespmem:v8+s5+$0x0], $0xffff  }
0x474: {  	[tilespmem:s13+$0xFFFFFE40] =	vst v3;
	v0 =	vld.idx.msk [tilespmem:v9+s5+$0x0], $0xffff  }
.Ltmp21:
0x475: {  	[tilespmem:s13+$0xFFFFFE50] =	vst v4;
	v1 =	vld.idx.msk [tilespmem:v10+s5+$0x0], $0xffff;
	(pc) =	sbr.rel @p0 .LBB2_41-.Ltmp21, $4  }
0x476: {  	[tilespmem:s13+$0xFFFFFE60] =	vst v5;
	v2 =	vld.idx.msk [tilespmem:v11+s5+$0x0], $0xffff  }
0x477: {  	[tilespmem:s13+$0xFFFFFE70] =	vst v7;
	v3 =	vld.idx.msk [tilespmem:v12+s5+$0x0], $0xffff  }
0x478: {  	[tilespmem:s13+$0xFFFFFE00] =	vst v14;
	v4 =	vld.idx.msk [tilespmem:v13+s5+$0x0], $0xffff  }
0x479: {  	s22 =	sadd.s32 $0x400, s22;
	[tilespmem:s13+$0x0] =	vst v8;
	v5 =	vld.idx.msk [tilespmem:v6+s5+$0x0], $0xffff  }
0x47a: {  	[tilespmem:s13+$0x10] =	vst v0  }
0x47b: {  	[tilespmem:s13+$0x20] =	vst v1  }
0x47c: {  	[tilespmem:s13+$0x30] =	vst v2  }
0x47d: {  	[tilespmem:s13+$0x40] =	vst v3  }
0x47e: {  	[tilespmem:s13+$0x50] =	vst v4  }
0x47f: {  	[tilespmem:s13+$0x60] =	vst v5  }
0x480: {  	v0 =	vld [tilespmem:s18+$0x70]  }
0x481: {  	v1 =	vld [tilespmem:s18+$0xFFFFFE10]  }
0x482: {  	v2 =	vld [tilespmem:s18+$0xFFFFFE20]  }
0x483: {  	v3 =	vld [tilespmem:s18+$0xFFFFFE30]  }
0x484: {  	v4 =	vld [tilespmem:s18+$0xFFFFFE40]  }
0x485: {  	v5 =	vld [tilespmem:s18+$0xFFFFFE50]  }
0x486: {  	v6 =	vld [tilespmem:s18+$0xFFFFFE60]  }
0x487: {  	v7 =	vld [tilespmem:s18+$0xFFFFFE70]  }
0x488: {  	v8 =	vld [tilespmem:s18+$0x0]  }
0x489: {  	v9 =	vld [tilespmem:s18+$0x10]  }
0x48a: {  	v10 =	vld [tilespmem:s18+$0x20]  }
0x48b: {  	v11 =	vld [tilespmem:s18+$0x30]  }
0x48c: {  	v12 =	vld [tilespmem:s18+$0x40]  }
0x48d: {  	v13 =	vld [tilespmem:s18+$0x50]  }
0x48e: {  	v14 =	vld [tilespmem:s18+$0x60]  }
0x48f: {  	v15 =	vld [tilespmem:s18+$0xFFFFFE00]  }
0x490: {  	v0 =	vld.idx.msk [tilespmem:v0+s5+$0x0], $0xffff  }
0x491: {  	v1 =	vld.idx.msk [tilespmem:v1+s5+$0x0], $0xffff  }
0x492: {  	v2 =	vld.idx.msk [tilespmem:v2+s5+$0x0], $0xffff  }
0x493: {  	v3 =	vld.idx.msk [tilespmem:v3+s5+$0x0], $0xffff  }
0x494: {  	v4 =	vld.idx.msk [tilespmem:v4+s5+$0x0], $0xffff  }
0x495: {  	v5 =	vld.idx.msk [tilespmem:v5+s5+$0x0], $0xffff  }
0x496: {  	v6 =	vld.idx.msk [tilespmem:v6+s5+$0x0], $0xffff;
	[tilespmem:s6+$0x70] =	vst v0  }
0x497: {  	v7 =	vld.idx.msk [tilespmem:v7+s5+$0x0], $0xffff;
	[tilespmem:s6+$0xFFFFFE10] =	vst v1  }
0x498: {  	v15 =	vld.idx.msk [tilespmem:v15+s5+$0x0], $0xffff;
	[tilespmem:s6+$0xFFFFFE20] =	vst v2  }
0x499: {  	v8 =	vld.idx.msk [tilespmem:v8+s5+$0x0], $0xffff;
	[tilespmem:s6+$0xFFFFFE30] =	vst v3  }
0x49a: {  	[tilespmem:s6+$0xFFFFFE40] =	vst v4;
	v0 =	vld.idx.msk [tilespmem:v9+s5+$0x0], $0xffff  }
0x49b: {  	[tilespmem:s6+$0xFFFFFE50] =	vst v5;
	v1 =	vld.idx.msk [tilespmem:v10+s5+$0x0], $0xffff  }
0x49c: {  	[tilespmem:s6+$0xFFFFFE60] =	vst v6;
	v2 =	vld.idx.msk [tilespmem:v11+s5+$0x0], $0xffff  }
0x49d: {  	[tilespmem:s6+$0xFFFFFE70] =	vst v7;
	v3 =	vld.idx.msk [tilespmem:v12+s5+$0x0], $0xffff  }
0x49e: {  	[tilespmem:s6+$0xFFFFFE00] =	vst v15;
	v4 =	vld.idx.msk [tilespmem:v13+s5+$0x0], $0xffff  }
0x49f: {  	s11 =	simm.s32 $0x0;
	s13 =	simm.s32 $0x7000;
	[tilespmem:s6+$0x0] =	vst v8;
	v5 =	vld.idx.msk [tilespmem:v14+s5+$0x0], $0xffff  }
.LBB2_43:
0x4a0: {  	v6 =	vld [tilespmem:s13+$0x70];
	s11 =	sadd.s32 $0x100, s11;
	[tilespmem:s6+$0x10] =	vst v0  }
0x4a1: {  	v0 =	vld [tilespmem:s13+$0xFFFFFE10];
	p0 =	slt.u32 s11, $0x700;
	[tilespmem:s6+$0x20] =	vst v1  }
0x4a2: {  	v1 =	vld [tilespmem:s13+$0xFFFFFE20];
	[tilespmem:s6+$0x30] =	vst v2  }
0x4a3: {  	v2 =	vld [tilespmem:s13+$0xFFFFFE30];
	[tilespmem:s6+$0x40] =	vst v3  }
0x4a4: {  	v3 =	vld [tilespmem:s13+$0xFFFFFE40];
	[tilespmem:s6+$0x50] =	vst v4  }
0x4a5: {  	v4 =	vld [tilespmem:s13+$0xFFFFFE50];
	[tilespmem:s6+$0x60] =	vst v5  }
0x4a6: {  	v5 =	vld [tilespmem:s13+$0xFFFFFE60]  }
0x4a7: {  	v7 =	vld [tilespmem:s13+$0xFFFFFE70]  }
0x4a8: {  	v6 =	vld.idx.msk [tilespmem:v6+s5+$0x0], $0xffff  }
0x4a9: {  	v8 =	vld [tilespmem:s13+$0x0]  }
0x4aa: {  	v9 =	vld [tilespmem:s13+$0x10]  }
0x4ab: {  	v10 =	vld [tilespmem:s13+$0x20]  }
0x4ac: {  	v11 =	vld [tilespmem:s13+$0x30]  }
0x4ad: {  	s6 =	sadd.s32 $0x400, s6;
	v12 =	vld [tilespmem:s13+$0x40]  }
0x4ae: {  	v13 =	vld [tilespmem:s13+$0x50];
	[tilespmem:s6+$0x70] =	vst v6  }
0x4af: {  	v6 =	vld [tilespmem:s13+$0x60]  }
0x4b0: {  	v14 =	vld [tilespmem:s13+$0xFFFFFE00]  }
0x4b1: {  	v0 =	vld.idx.msk [tilespmem:v0+s5+$0x0], $0xffff  }
0x4b2: {  	v1 =	vld.idx.msk [tilespmem:v1+s5+$0x0], $0xffff  }
0x4b3: {  	v2 =	vld.idx.msk [tilespmem:v2+s5+$0x0], $0xffff  }
0x4b4: {  	v3 =	vld.idx.msk [tilespmem:v3+s5+$0x0], $0xffff  }
0x4b5: {  	v4 =	vld.idx.msk [tilespmem:v4+s5+$0x0], $0xffff  }
0x4b6: {  	v5 =	vld.idx.msk [tilespmem:v5+s5+$0x0], $0xffff  }
0x4b7: {  	[tilespmem:s6+$0xFFFFFE10] =	vst v0;
	v7 =	vld.idx.msk [tilespmem:v7+s5+$0x0], $0xffff  }
0x4b8: {  	v14 =	vld.idx.msk [tilespmem:v14+s5+$0x0], $0xffff;
	[tilespmem:s6+$0xFFFFFE20] =	vst v1  }
0x4b9: {  	[tilespmem:s6+$0xFFFFFE30] =	vst v2;
	v8 =	vld.idx.msk [tilespmem:v8+s5+$0x0], $0xffff  }
0x4ba: {  	[tilespmem:s6+$0xFFFFFE40] =	vst v3;
	v0 =	vld.idx.msk [tilespmem:v9+s5+$0x0], $0xffff  }
.Ltmp22:
0x4bb: {  	[tilespmem:s6+$0xFFFFFE50] =	vst v4;
	v1 =	vld.idx.msk [tilespmem:v10+s5+$0x0], $0xffff;
	(pc) =	sbr.rel @p0 .LBB2_43-.Ltmp22, $4  }
0x4bc: {  	[tilespmem:s6+$0xFFFFFE60] =	vst v5;
	v2 =	vld.idx.msk [tilespmem:v11+s5+$0x0], $0xffff  }
0x4bd: {  	[tilespmem:s6+$0xFFFFFE70] =	vst v7;
	v3 =	vld.idx.msk [tilespmem:v12+s5+$0x0], $0xffff  }
0x4be: {  	[tilespmem:s6+$0xFFFFFE00] =	vst v14;
	v4 =	vld.idx.msk [tilespmem:v13+s5+$0x0], $0xffff  }
0x4bf: {  	s13 =	sadd.s32 $0x400, s13;
	[tilespmem:s6+$0x0] =	vst v8;
	v5 =	vld.idx.msk [tilespmem:v6+s5+$0x0], $0xffff  }
0x4c0: {  	[tilespmem:s6+$0x10] =	vst v0  }
0x4c1: {  	[tilespmem:s6+$0x20] =	vst v1  }
0x4c2: {  	[tilespmem:s6+$0x30] =	vst v2  }
0x4c3: {  	[tilespmem:s6+$0x40] =	vst v3  }
0x4c4: {  	p0 =	sne.s32 @!p1 s17, $0x20;
	[tilespmem:s6+$0x50] =	vst v4  }
0x4c5: {  	s25 =	sadd.s32 s10, s15;
	p0 =	por p1, !p0;
	[tilespmem:s6+$0x60] =	vst v5  }
0x4c6: {  	[hbm4b:s25+s20] =	stream.strided.scatter [tilespmem:s23], [sflag:$0x8], $0x2000, s21, s20, $0x38;
	[tilespmem:$0x10880] =	vst v63  }
.Ltmp23:
0x4c7: {  	s6 =	sadd.s32 @!p1 s12, s16;
	(pc) =	sbr.rel @!p0 .LBB2_4-.Ltmp23, $4  }
0x4c8: {  	s6 =	sshll.u32 @!p1 s6, $0x8  }
0x4c9: {  	s10 =	simm.s32 @!p1 $0x200;
	s11 =	simm.s32 @!p1 $0x400;
	s6 =	sand.u32 @!p1 $0x7FF800, s6  }
0x4ca: {  	s13 =	smov.u32 s17;
	s12 =	simm.s32 @!p1 $0x6880;
	s6 =	sadd.s32 @!p1 s6, s9  }
0x4cb: {  	[tilespmem:s12], [sflag:$0x4] =	stream.strided.gather @!p1 [hbm4b:s6+s10], $0x2000, s11, s10, $0x38;
	[tilespmem:$0x10880] =	vst v63  }
0x4cc: {  	s6 =	simm.s32 $0x5  }
0x4cd: {  	_ =	swait.ge [sflag:s6], $0x2000  }
0x4ce: {  	[sflag:s6] =	ssyncset.done $0x0  }
0x4cf: {  	[sflag:s6] =	ssyncadd.s32 $0xFFFFE000  }
0x4d0: {  	_ =	swait.ge [sflag:s30], $0x2000  }
0x4d1: {  	[sflag:s30] =	ssyncset.done $0x0  }
0x4d2: {  	s22 =	simm.s32 $0x7;
	[sflag:s30] =	ssyncadd.s32 $0xFFFFE000  }
0x4d3: {  	_ =	swait.ge [sflag:s22], $0x2000  }
0x4d4: {  	[sflag:s22] =	ssyncset.done $0x0  }
0x4d5: {  	[sflag:s22] =	ssyncadd.s32 $0xFFFFE000  }
0x4d6: {  	_ =	swait.ge [sflag:s19], $0x2000  }
0x4d7: {  	s10 =	rddreg [dreg:$0xb]  }
0x4d8: {  	s25 =	rddreg [dreg:$0xa];
	s10 =	sadd.s32 $0x1, s10  }
0x4d9: {  	p0 =	sne.s32 s10, s25  }
.Ltmp24:
0x4da: {  	_ = 	snop;
	(pc) =	sbr.rel @p0 .LBB2_1-.Ltmp24, $3  }
0x4db: {  	_ =	sdelay $0x1  }
0x4dc: {  	[sflag:s19] =	ssyncset.done $0x0  }
0x4dd: {  	[sflag:s19] =	ssyncadd.s32 $0xFFFFE000  }
0x4de: {  	_ =	sfence.sel $0x180000  }
0x4df: {  	[bflag:$0x0] =	sbarrier.arrive $0xFFFF  }
0x4e0: {  	_ =	strace $0x90000047  }
0x4e1: {  	s0 =	stileid.u32;
	[bflag:$0x2] =	sbarrier.arrive $0xFFFF  }
0x4e2: {  	p0 =	sne.s32 s0, $0x0;
	s0 =	rddreg [dreg:$0x4]  }
0x4e3: {  	s0 =	sadd.s32 @!p0 $0x100000, s0  }
0x4e4: {  	[sflag:s0] =	ssyncadd.tile.s32 @!p0 $0x1;
	_ =	shalt  }
.Lfunc_end2:
_tile_overlayer_lowered:
.L_overlay_start_2:
0x4e5: {  	(tag) =	ssettag $0x2  }
0x4e6: {  	s0 =	rddreg [dreg:$0x0];
	s2 =	stileid.u32  }
0x4e7: {  	s1 =	rddreg [dreg:$0x1];
	p0 =	sne.s32 s2, $0x0  }
0x4e8: {  	s3 =	rddreg [dreg:$0x2];
	[bflag:$0x3] =	sbarrier.arrive $0xFFFF;
	s2 =	simm.s32 @!p0 $0x1C09  }
0x4e9: {  	[timem:s3], [sflag:s2] =	dma.local @!p0 [hbm:s0], s1  }
0x4ea: {  	s0 =	simm.s32 @!p0 $0x9  }
0x4eb: {  	_ =	swait.ge @!p0 [sflag:s0], s1  }
0x4ec: {  	s1 =	ssub.s32 @!p0 $0x0, s1;
	[sflag:s0] =	ssyncset.done @!p0 $0x0  }
0x4ed: {  	[sflag:s0] =	ssyncadd.s32 @!p0 s1  }
0x4ee: {  	[bflag:$0x3] =	sbarrier.arrive $0xFFFF  }
0x4ef: {  	_ =	shalt  }

</sc_bundles>
